<compile_context>
chip_gen: v7x
topology: tpu7x:2x2x1
jax: 0.10.2.dev20260603
libtpu: 0.0.44.dev20260713+nightly
codegen_flags: <defaults>
</compile_context>

<pallas_src>
import functools

import jax
import jax.numpy as jnp
from jax import lax
from jax.experimental import pallas as pl
from jax.experimental.pallas import tpu as pltpu
from jax.experimental.pallas import tpu_sc as plsc

NC = 2
NS = 16
NW = NC * NS
LANES = 16

SC_PLANES = 256


def _make_sc_shuffle(n_planes, P, C):
    planes_per_w = n_planes // NW
    n_groups = P // LANES
    TC_ = C // 128
    mesh = plsc.VectorSubcoreMesh(core_axis_name="c", subcore_axis_name="s")

    @functools.partial(
        pl.kernel,
        out_type=jax.ShapeDtypeStruct((n_planes * P,), jnp.float32),
        mesh=mesh,
        compiler_params=pltpu.CompilerParams(needs_layout_passes=False),
        scratch_types=[
            pltpu.VMEM((C,), jnp.int32),
            pltpu.VMEM((P,), jnp.int32),
            pltpu.VMEM((P,), jnp.float32),
            pltpu.VMEM((P,), jnp.float32),
            pltpu.VMEM((P,), jnp.float32),
            pltpu.VMEM((P,), jnp.float32),
            pltpu.SemaphoreType.DMA,
            pltpu.SemaphoreType.DMA,
            pltpu.SemaphoreType.DMA,
            pltpu.SemaphoreType.DMA,
        ],
    )
    def sc_shuffle(x_hbm, idx_hbm, out_hbm, idx_v, gidx_v,
                   in0, in1, out0, out1, si0, si1, so0, so1):
        wid = lax.axis_index("s") * NC + lax.axis_index("c")
        base = wid * planes_per_w
        pltpu.sync_copy(idx_hbm, idx_v)
        iota = lax.iota(jnp.int32, LANES)

        def build(j, _):
            p = j * LANES + iota
            t = p >> 10
            twtc = lax.div(t, TC_) * TC_
            c_out = (t - twtc) * 128 + (p & 127)
            c_src = plsc.load_gather(idx_v, [c_out])
            gidx_v[pl.ds(j * LANES, LANES)] = (
                p
                + (c_src + ((c_src >> 7) * 896))
                - (c_out + ((c_out >> 7) * 896))
            )
            return 0

        lax.fori_loop(0, n_groups, build, 0, unroll=4)

        def start_in(i, buf, sem):
            pltpu.make_async_copy(
                x_hbm.at[pl.ds((base + i) * P, P)], buf, sem).start()

        def wait_in(i, buf, sem):
            pltpu.make_async_copy(
                x_hbm.at[pl.ds((base + i) * P, P)], buf, sem).wait()

        def start_out(i, buf, sem):
            pltpu.make_async_copy(
                buf, out_hbm.at[pl.ds((base + i) * P, P)], sem).start()

        def wait_out(i, buf, sem):
            pltpu.make_async_copy(
                buf, out_hbm.at[pl.ds((base + i) * P, P)], sem).wait()

        def permute(src, dst):
            def step(j, _):
                o = j * LANES
                dst[pl.ds(o, LANES)] = plsc.load_gather(
                    src, [gidx_v[pl.ds(o, LANES)]])
                return 0

            lax.fori_loop(0, n_groups, step, 0, unroll=8)

        start_in(0, in0, si0)
        start_in(1, in1, si1)
        wait_in(0, in0, si0)
        permute(in0, out0)
        start_out(0, out0, so0)
        start_in(2, in0, si0)
        wait_in(1, in1, si1)
        permute(in1, out1)
        start_out(1, out1, so1)
        start_in(3, in1, si1)

        def pair(k, _):
            i0 = 2 * k
            wait_in(i0, in0, si0)
            wait_out(i0 - 2, out0, so0)
            permute(in0, out0)
            start_out(i0, out0, so0)
            start_in(i0 + 2, in0, si0)
            wait_in(i0 + 1, in1, si1)
            wait_out(i0 - 1, out1, so1)
            permute(in1, out1)
            start_out(i0 + 1, out1, so1)
            start_in(i0 + 3, in1, si1)
            return 0

        lax.fori_loop(1, planes_per_w // 2 - 1, pair, 0)

        i0 = planes_per_w - 2
        wait_in(i0, in0, si0)
        wait_out(i0 - 2, out0, so0)
        permute(in0, out0)
        start_out(i0, out0, so0)
        wait_in(i0 + 1, in1, si1)
        wait_out(i0 - 1, out1, so1)
        permute(in1, out1)
        start_out(i0 + 1, out1, so1)
        wait_out(i0, out0, so0)
        wait_out(i0 + 1, out1, so1)

    return sc_shuffle


def _onehot_body(idx_ref, p_ref):
    r = lax.broadcasted_iota(jnp.int32, p_ref.shape, 0)
    idx_row = idx_ref[...].reshape(1, -1)
    p_ref[...] = (r == idx_row).astype(jnp.float32)


def _mm_body(x_ref, p_ref, o_ref):
    o_ref[...] = lax.dot_general(
        x_ref[...], p_ref[...], (((1,), (0,)), ((), ())),
        preferred_element_type=jnp.float32,
    )


def kernel(x, forward_shuffle_idx):
    B, C, H, W = x.shape
    TW, TC_ = W // 8, C // 128
    P = TW * TC_ * 1024
    n_planes = B * H
    M_sc = SC_PLANES * W
    M_tc = (n_planes - SC_PLANES) * W

    xm = x.transpose(0, 2, 3, 1).reshape(B * H * W, C)

    xp = (
        x.transpose(0, 2, 3, 1)
        .reshape(B, H, TW, 8, TC_, 128)
        .transpose(0, 1, 2, 4, 3, 5)
        .reshape(-1)
    )
    sc_out = _make_sc_shuffle(SC_PLANES, P, C)(
        xp[: SC_PLANES * P], forward_shuffle_idx)

    p_mat = pl.pallas_call(
        _onehot_body,
        out_shape=jax.ShapeDtypeStruct((C, C), jnp.float32),
    )(forward_shuffle_idx.reshape(1, C))

    BM = 2048
    OFF = M_sc // BM
    tc_out = pl.pallas_call(
        _mm_body,
        grid=(M_tc // BM,),
        in_specs=[
            pl.BlockSpec((BM, C), lambda m: (m + OFF, 0)),
            pl.BlockSpec((C, C), lambda m: (0, 0)),
        ],
        out_specs=pl.BlockSpec((BM, C), lambda m: (m, 0)),
        out_shape=jax.ShapeDtypeStruct((M_tc, C), jnp.float32),
    )(xm, p_mat)

    sc_part = (
        sc_out.reshape(SC_PLANES, TW, TC_, 8, 128)
        .transpose(0, 1, 3, 2, 4)
        .reshape(M_sc, C)
    )
    out = jnp.concatenate([sc_part, tc_out], axis=0)
    out = out.reshape(B, H, W, C).transpose(0, 3, 1, 2)
    return (out, jnp.zeros((), x.dtype))

# --- scband reference (transcript-rebuilt; emitter-appended) ---
"""Pipeline reference for scband-shuffle-7112465842865 (READ-ONLY COPY).

The authoritative reference and input builder live on the scoring server;
editing this copy changes nothing except your own understanding.
"""

import jax, jax.numpy as jnp
import numpy as np

IN_CHANNELS = 768


def setup_inputs(seed: int = 0) -> dict:
    key = jax.random.key(seed)
    kx, kp = jax.random.split(key)
    x = jax.random.normal(kx, (64, IN_CHANNELS, 32, 32), dtype=jnp.float32)
    # buffer created in __init__: random permutation of channels
    forward_shuffle_idx = jax.random.permutation(kp, jnp.arange(IN_CHANNELS, dtype=jnp.int32))
    return {"x": x, "forward_shuffle_idx": forward_shuffle_idx}


def reference(x, forward_shuffle_idx):
    # x[:, self.forward_shuffle_idx, ...], logdet = 0
    out = jnp.take(x, forward_shuffle_idx, axis=1)
    logdet = jnp.zeros((), dtype=x.dtype)
    return (out, logdet)

if __name__ == "__main__":
    import jax
    _d = setup_inputs()
    print(jax.jit(kernel)(*tuple(_d.values())))

</pallas_src>

<mosaic_0001>
#map = affine_map<(d0, d1) -> (0)>
module attributes {stable_mosaic.version = 14 : i64} {
  func.func @sc_shuffle(%arg0: i32, %arg1: i32, %arg2: memref<6291456xf32, #tpu.memory_space<hbm>>, %arg3: memref<768xi32, #tpu.memory_space<hbm>>, %arg4: memref<6291456xf32, #tpu.memory_space<hbm>>, %arg5: memref<768xi32, #tpu.memory_space<vmem>>, %arg6: memref<24576xi32, #tpu.memory_space<vmem>>, %arg7: memref<24576xf32, #tpu.memory_space<vmem>>, %arg8: memref<24576xf32, #tpu.memory_space<vmem>>, %arg9: memref<24576xf32, #tpu.memory_space<vmem>>, %arg10: memref<24576xf32, #tpu.memory_space<vmem>>, %arg11: memref<!tpu.dma_semaphore, #tpu.memory_space<semaphore_mem>>, %arg12: memref<!tpu.dma_semaphore, #tpu.memory_space<semaphore_mem>>, %arg13: memref<!tpu.dma_semaphore, #tpu.memory_space<semaphore_mem>>, %arg14: memref<!tpu.dma_semaphore, #tpu.memory_space<semaphore_mem>>) attributes {dimension_semantics = [#tpu.dimension_semantics<core_parallel>, #tpu.dimension_semantics<subcore_parallel>], iteration_bounds = array<i64: 2, 16>, scalar_prefetch = 0 : i64, scratch_operands = 10 : i64, tpu.core_type = #tpu.core_type<sc_vector_subcore>, window_params = [{transform_indices = #map}, {transform_indices = #map}, {transform_indices = #map}]} {
    %mul3A = arith.constant 2 : i32
    %mul3A_0 = arith.muli %arg1, %mul3A : i32
    %add3A = arith.addi %mul3A_0, %arg0 : i32
    %mul3A_1 = arith.constant 8 : i32
    %mul3A_2 = arith.muli %add3A, %mul3A_1 : i32
    "tpu.region"() ({
      %run_scoped3A = tpu.sem_alloc : memref<!tpu.dma_semaphore, #tpu.memory_space<semaphore_mem>>
      tpu.enqueue_dma source(%arg3 : memref<768xi32, #tpu.memory_space<hbm>>) target(%arg5 : memref<768xi32, #tpu.memory_space<vmem>>) target_semaphore(%run_scoped3A : memref<!tpu.dma_semaphore, #tpu.memory_space<semaphore_mem>>)
      tpu.wait_dma2 semaphore(%run_scoped3A : memref<!tpu.dma_semaphore, #tpu.memory_space<semaphore_mem>>) src(%arg3 : memref<768xi32, #tpu.memory_space<hbm>>) dst(%arg5 : memref<768xi32, #tpu.memory_space<vmem>>)
      tpu.yield
    }) : () -> ()
    %iota3A = tpu.iota {dimensions = array<i32: 0>} : vector<16xi32>
    %scan3A = arith.constant 0 : i32
    %scan3A_3 = arith.constant 0 : i32
    %scan3A_4 = arith.constant 1536 : i32
    %scan3A_5 = arith.addi %scan3A_3, %scan3A_4 : i32
    %scan3A_6 = arith.constant 4 : i32
    %scan3A_7 = scf.for %scan3A_138 = %scan3A_3 to %scan3A_5 step %scan3A_6 iter_args(%scan3A_139 = %scan3A) -> (i32)  : i32 {
      %mul3A_140 = arith.constant 16 : i32
      %mul3A_141 = arith.muli %scan3A_138, %mul3A_140 : i32
      %add3A_142 = vector.broadcast %mul3A_141 : i32 to vector<16xi32>
      %add3A_143 = arith.addi %add3A_142, %iota3A : vector<16xi32>
      %shift_right_arithmetic3A = arith.constant 10 : i32
      %shift_right_arithmetic3A_144 = vector.broadcast %shift_right_arithmetic3A : i32 to vector<16xi32>
      %shift_right_arithmetic3A_145 = arith.shrsi %add3A_143, %shift_right_arithmetic3A_144 : vector<16xi32>
      %div3A = arith.constant 6 : i32
      %div3A_146 = vector.broadcast %div3A : i32 to vector<16xi32>
      %div3A_147 = arith.divsi %shift_right_arithmetic3A_145, %div3A_146 : vector<16xi32>
      %mul3A_148 = arith.constant 6 : i32
      %mul3A_149 = vector.broadcast %mul3A_148 : i32 to vector<16xi32>
      %mul3A_150 = arith.muli %div3A_147, %mul3A_149 : vector<16xi32>
      %sub3A = arith.subi %shift_right_arithmetic3A_145, %mul3A_150 : vector<16xi32>
      %mul3A_151 = arith.constant 128 : i32
      %mul3A_152 = vector.broadcast %mul3A_151 : i32 to vector<16xi32>
      %mul3A_153 = arith.muli %sub3A, %mul3A_152 : vector<16xi32>
      %and3A = arith.constant 127 : i32
      %and3A_154 = vector.broadcast %and3A : i32 to vector<16xi32>
      %and3A_155 = arith.andi %add3A_143, %and3A_154 : vector<16xi32>
      %add3A_156 = arith.addi %mul3A_153, %and3A_155 : vector<16xi32>
      %gather3A = tpu.vector_load_idx %arg5[%add3A_156] : memref<768xi32, #tpu.memory_space<vmem>>[vector<16xi32>], vector<16xi32>,
      %shift_right_arithmetic3A_157 = arith.constant 7 : i32
      %shift_right_arithmetic3A_158 = vector.broadcast %shift_right_arithmetic3A_157 : i32 to vector<16xi32>
      %shift_right_arithmetic3A_159 = arith.shrsi %gather3A, %shift_right_arithmetic3A_158 : vector<16xi32>
      %mul3A_160 = arith.constant 896 : i32
      %mul3A_161 = vector.broadcast %mul3A_160 : i32 to vector<16xi32>
      %mul3A_162 = arith.muli %shift_right_arithmetic3A_159, %mul3A_161 : vector<16xi32>
      %add3A_163 = arith.addi %gather3A, %mul3A_162 : vector<16xi32>
      %add3A_164 = arith.addi %add3A_143, %add3A_163 : vector<16xi32>
      %shift_right_arithmetic3A_165 = arith.constant 7 : i32
      %shift_right_arithmetic3A_166 = vector.broadcast %shift_right_arithmetic3A_165 : i32 to vector<16xi32>
      %shift_right_arithmetic3A_167 = arith.shrsi %add3A_156, %shift_right_arithmetic3A_166 : vector<16xi32>
      %mul3A_168 = arith.constant 896 : i32
      %mul3A_169 = vector.broadcast %mul3A_168 : i32 to vector<16xi32>
      %mul3A_170 = arith.muli %shift_right_arithmetic3A_167, %mul3A_169 : vector<16xi32>
      %add3A_171 = arith.addi %add3A_156, %mul3A_170 : vector<16xi32>
      %sub3A_172 = arith.subi %add3A_164, %add3A_171 : vector<16xi32>
      %mul3A_173 = arith.constant 16 : i32
      %mul3A_174 = arith.muli %scan3A_138, %mul3A_173 : i32
      %swap3A = arith.index_cast %mul3A_174 : i32 to index
      %swap3A_175 = tpu.vector_load %arg6[%swap3A] {strides = array<i32>} : memref<24576xi32, #tpu.memory_space<vmem>>, vector<16xi32>,
      tpu.vector_store %arg6[%swap3A], %sub3A_172 {strides = array<i32>} : memref<24576xi32, #tpu.memory_space<vmem>>, vector<16xi32>,
      %scan3A_176 = arith.constant 0 : i32
      %scan3A_177 = arith.constant 1 : i32
      %scan3A_178 = arith.addi %scan3A_138, %scan3A_177 : i32
      %mul3A_179 = arith.constant 16 : i32
      %mul3A_180 = arith.muli %scan3A_178, %mul3A_179 : i32
      %add3A_181 = vector.broadcast %mul3A_180 : i32 to vector<16xi32>
      %add3A_182 = arith.addi %add3A_181, %iota3A : vector<16xi32>
      %shift_right_arithmetic3A_183 = arith.constant 10 : i32
      %shift_right_arithmetic3A_184 = vector.broadcast %shift_right_arithmetic3A_183 : i32 to vector<16xi32>
      %shift_right_arithmetic3A_185 = arith.shrsi %add3A_182, %shift_right_arithmetic3A_184 : vector<16xi32>
      %div3A_186 = arith.constant 6 : i32
      %div3A_187 = vector.broadcast %div3A_186 : i32 to vector<16xi32>
      %div3A_188 = arith.divsi %shift_right_arithmetic3A_185, %div3A_187 : vector<16xi32>
      %mul3A_189 = arith.constant 6 : i32
      %mul3A_190 = vector.broadcast %mul3A_189 : i32 to vector<16xi32>
      %mul3A_191 = arith.muli %div3A_188, %mul3A_190 : vector<16xi32>
      %sub3A_192 = arith.subi %shift_right_arithmetic3A_185, %mul3A_191 : vector<16xi32>
      %mul3A_193 = arith.constant 128 : i32
      %mul3A_194 = vector.broadcast %mul3A_193 : i32 to vector<16xi32>
      %mul3A_195 = arith.muli %sub3A_192, %mul3A_194 : vector<16xi32>
      %and3A_196 = arith.constant 127 : i32
      %and3A_197 = vector.broadcast %and3A_196 : i32 to vector<16xi32>
      %and3A_198 = arith.andi %add3A_182, %and3A_197 : vector<16xi32>
      %add3A_199 = arith.addi %mul3A_195, %and3A_198 : vector<16xi32>
      %gather3A_200 = tpu.vector_load_idx %arg5[%add3A_199] : memref<768xi32, #tpu.memory_space<vmem>>[vector<16xi32>], vector<16xi32>,
      %shift_right_arithmetic3A_201 = arith.constant 7 : i32
      %shift_right_arithmetic3A_202 = vector.broadcast %shift_right_arithmetic3A_201 : i32 to vector<16xi32>
      %shift_right_arithmetic3A_203 = arith.shrsi %gather3A_200, %shift_right_arithmetic3A_202 : vector<16xi32>
      %mul3A_204 = arith.constant 896 : i32
      %mul3A_205 = vector.broadcast %mul3A_204 : i32 to vector<16xi32>
      %mul3A_206 = arith.muli %shift_right_arithmetic3A_203, %mul3A_205 : vector<16xi32>
      %add3A_207 = arith.addi %gather3A_200, %mul3A_206 : vector<16xi32>
      %add3A_208 = arith.addi %add3A_182, %add3A_207 : vector<16xi32>
      %shift_right_arithmetic3A_209 = arith.constant 7 : i32
      %shift_right_arithmetic3A_210 = vector.broadcast %shift_right_arithmetic3A_209 : i32 to vector<16xi32>
      %shift_right_arithmetic3A_211 = arith.shrsi %add3A_199, %shift_right_arithmetic3A_210 : vector<16xi32>
      %mul3A_212 = arith.constant 896 : i32
      %mul3A_213 = vector.broadcast %mul3A_212 : i32 to vector<16xi32>
      %mul3A_214 = arith.muli %shift_right_arithmetic3A_211, %mul3A_213 : vector<16xi32>
      %add3A_215 = arith.addi %add3A_199, %mul3A_214 : vector<16xi32>
      %sub3A_216 = arith.subi %add3A_208, %add3A_215 : vector<16xi32>
      %mul3A_217 = arith.constant 16 : i32
      %mul3A_218 = arith.muli %scan3A_178, %mul3A_217 : i32
      %swap3A_219 = arith.index_cast %mul3A_218 : i32 to index
      %swap3A_220 = tpu.vector_load %arg6[%swap3A_219] {strides = array<i32>} : memref<24576xi32, #tpu.memory_space<vmem>>, vector<16xi32>,
      tpu.vector_store %arg6[%swap3A_219], %sub3A_216 {strides = array<i32>} : memref<24576xi32, #tpu.memory_space<vmem>>, vector<16xi32>,
      %scan3A_221 = arith.constant 0 : i32
      %scan3A_222 = arith.constant 2 : i32
      %scan3A_223 = arith.addi %scan3A_138, %scan3A_222 : i32
      %mul3A_224 = arith.constant 16 : i32
      %mul3A_225 = arith.muli %scan3A_223, %mul3A_224 : i32
      %add3A_226 = vector.broadcast %mul3A_225 : i32 to vector<16xi32>
      %add3A_227 = arith.addi %add3A_226, %iota3A : vector<16xi32>
      %shift_right_arithmetic3A_228 = arith.constant 10 : i32
      %shift_right_arithmetic3A_229 = vector.broadcast %shift_right_arithmetic3A_228 : i32 to vector<16xi32>
      %shift_right_arithmetic3A_230 = arith.shrsi %add3A_227, %shift_right_arithmetic3A_229 : vector<16xi32>
      %div3A_231 = arith.constant 6 : i32
      %div3A_232 = vector.broadcast %div3A_231 : i32 to vector<16xi32>
      %div3A_233 = arith.divsi %shift_right_arithmetic3A_230, %div3A_232 : vector<16xi32>
      %mul3A_234 = arith.constant 6 : i32
      %mul3A_235 = vector.broadcast %mul3A_234 : i32 to vector<16xi32>
      %mul3A_236 = arith.muli %div3A_233, %mul3A_235 : vector<16xi32>
      %sub3A_237 = arith.subi %shift_right_arithmetic3A_230, %mul3A_236 : vector<16xi32>
      %mul3A_238 = arith.constant 128 : i32
      %mul3A_239 = vector.broadcast %mul3A_238 : i32 to vector<16xi32>
      %mul3A_240 = arith.muli %sub3A_237, %mul3A_239 : vector<16xi32>
      %and3A_241 = arith.constant 127 : i32
      %and3A_242 = vector.broadcast %and3A_241 : i32 to vector<16xi32>
      %and3A_243 = arith.andi %add3A_227, %and3A_242 : vector<16xi32>
      %add3A_244 = arith.addi %mul3A_240, %and3A_243 : vector<16xi32>
      %gather3A_245 = tpu.vector_load_idx %arg5[%add3A_244] : memref<768xi32, #tpu.memory_space<vmem>>[vector<16xi32>], vector<16xi32>,
      %shift_right_arithmetic3A_246 = arith.constant 7 : i32
      %shift_right_arithmetic3A_247 = vector.broadcast %shift_right_arithmetic3A_246 : i32 to vector<16xi32>
      %shift_right_arithmetic3A_248 = arith.shrsi %gather3A_245, %shift_right_arithmetic3A_247 : vector<16xi32>
      %mul3A_249 = arith.constant 896 : i32
      %mul3A_250 = vector.broadcast %mul3A_249 : i32 to vector<16xi32>
      %mul3A_251 = arith.muli %shift_right_arithmetic3A_248, %mul3A_250 : vector<16xi32>
      %add3A_252 = arith.addi %gather3A_245, %mul3A_251 : vector<16xi32>
      %add3A_253 = arith.addi %add3A_227, %add3A_252 : vector<16xi32>
      %shift_right_arithmetic3A_254 = arith.constant 7 : i32
      %shift_right_arithmetic3A_255 = vector.broadcast %shift_right_arithmetic3A_254 : i32 to vector<16xi32>
      %shift_right_arithmetic3A_256 = arith.shrsi %add3A_244, %shift_right_arithmetic3A_255 : vector<16xi32>
      %mul3A_257 = arith.constant 896 : i32
      %mul3A_258 = vector.broadcast %mul3A_257 : i32 to vector<16xi32>
      %mul3A_259 = arith.muli %shift_right_arithmetic3A_256, %mul3A_258 : vector<16xi32>
      %add3A_260 = arith.addi %add3A_244, %mul3A_259 : vector<16xi32>
      %sub3A_261 = arith.subi %add3A_253, %add3A_260 : vector<16xi32>
      %mul3A_262 = arith.constant 16 : i32
      %mul3A_263 = arith.muli %scan3A_223, %mul3A_262 : i32
      %swap3A_264 = arith.index_cast %mul3A_263 : i32 to index
      %swap3A_265 = tpu.vector_load %arg6[%swap3A_264] {strides = array<i32>} : memref<24576xi32, #tpu.memory_space<vmem>>, vector<16xi32>,
      tpu.vector_store %arg6[%swap3A_264], %sub3A_261 {strides = array<i32>} : memref<24576xi32, #tpu.memory_space<vmem>>, vector<16xi32>,
      %scan3A_266 = arith.constant 0 : i32
      %scan3A_267 = arith.constant 3 : i32
      %scan3A_268 = arith.addi %scan3A_138, %scan3A_267 : i32
      %mul3A_269 = arith.constant 16 : i32
      %mul3A_270 = arith.muli %scan3A_268, %mul3A_269 : i32
      %add3A_271 = vector.broadcast %mul3A_270 : i32 to vector<16xi32>
      %add3A_272 = arith.addi %add3A_271, %iota3A : vector<16xi32>
      %shift_right_arithmetic3A_273 = arith.constant 10 : i32
      %shift_right_arithmetic3A_274 = vector.broadcast %shift_right_arithmetic3A_273 : i32 to vector<16xi32>
      %shift_right_arithmetic3A_275 = arith.shrsi %add3A_272, %shift_right_arithmetic3A_274 : vector<16xi32>
      %div3A_276 = arith.constant 6 : i32
      %div3A_277 = vector.broadcast %div3A_276 : i32 to vector<16xi32>
      %div3A_278 = arith.divsi %shift_right_arithmetic3A_275, %div3A_277 : vector<16xi32>
      %mul3A_279 = arith.constant 6 : i32
      %mul3A_280 = vector.broadcast %mul3A_279 : i32 to vector<16xi32>
      %mul3A_281 = arith.muli %div3A_278, %mul3A_280 : vector<16xi32>
      %sub3A_282 = arith.subi %shift_right_arithmetic3A_275, %mul3A_281 : vector<16xi32>
      %mul3A_283 = arith.constant 128 : i32
      %mul3A_284 = vector.broadcast %mul3A_283 : i32 to vector<16xi32>
      %mul3A_285 = arith.muli %sub3A_282, %mul3A_284 : vector<16xi32>
      %and3A_286 = arith.constant 127 : i32
      %and3A_287 = vector.broadcast %and3A_286 : i32 to vector<16xi32>
      %and3A_288 = arith.andi %add3A_272, %and3A_287 : vector<16xi32>
      %add3A_289 = arith.addi %mul3A_285, %and3A_288 : vector<16xi32>
      %gather3A_290 = tpu.vector_load_idx %arg5[%add3A_289] : memref<768xi32, #tpu.memory_space<vmem>>[vector<16xi32>], vector<16xi32>,
      %shift_right_arithmetic3A_291 = arith.constant 7 : i32
      %shift_right_arithmetic3A_292 = vector.broadcast %shift_right_arithmetic3A_291 : i32 to vector<16xi32>
      %shift_right_arithmetic3A_293 = arith.shrsi %gather3A_290, %shift_right_arithmetic3A_292 : vector<16xi32>
      %mul3A_294 = arith.constant 896 : i32
      %mul3A_295 = vector.broadcast %mul3A_294 : i32 to vector<16xi32>
      %mul3A_296 = arith.muli %shift_right_arithmetic3A_293, %mul3A_295 : vector<16xi32>
      %add3A_297 = arith.addi %gather3A_290, %mul3A_296 : vector<16xi32>
      %add3A_298 = arith.addi %add3A_272, %add3A_297 : vector<16xi32>
      %shift_right_arithmetic3A_299 = arith.constant 7 : i32
      %shift_right_arithmetic3A_300 = vector.broadcast %shift_right_arithmetic3A_299 : i32 to vector<16xi32>
      %shift_right_arithmetic3A_301 = arith.shrsi %add3A_289, %shift_right_arithmetic3A_300 : vector<16xi32>
      %mul3A_302 = arith.constant 896 : i32
      %mul3A_303 = vector.broadcast %mul3A_302 : i32 to vector<16xi32>
      %mul3A_304 = arith.muli %shift_right_arithmetic3A_301, %mul3A_303 : vector<16xi32>
      %add3A_305 = arith.addi %add3A_289, %mul3A_304 : vector<16xi32>
      %sub3A_306 = arith.subi %add3A_298, %add3A_305 : vector<16xi32>
      %mul3A_307 = arith.constant 16 : i32
      %mul3A_308 = arith.muli %scan3A_268, %mul3A_307 : i32
      %swap3A_309 = arith.index_cast %mul3A_308 : i32 to index
      %swap3A_310 = tpu.vector_load %arg6[%swap3A_309] {strides = array<i32>} : memref<24576xi32, #tpu.memory_space<vmem>>, vector<16xi32>,
      tpu.vector_store %arg6[%swap3A_309], %sub3A_306 {strides = array<i32>} : memref<24576xi32, #tpu.memory_space<vmem>>, vector<16xi32>,
      %scan3A_311 = arith.constant 0 : i32
      scf.yield %scan3A_311 : i32
    }
    %scan3A_8 = arith.constant 1536 : i32
    %add3A_9 = arith.constant 0 : i32
    %add3A_10 = arith.addi %mul3A_2, %add3A_9 : i32
    %mul3A_11 = arith.constant 24576 : i32
    %mul3A_12 = arith.muli %add3A_10, %mul3A_11 : i32
    %dma_start3A = tpu.memref_slice %arg2[%mul3A_12] : memref<6291456xf32, #tpu.memory_space<hbm>> -> memref<24576xf32, #tpu.memory_space<hbm>>
    %dma_start3A_13 = tpu.memref_slice %arg2[%mul3A_12] : memref<6291456xf32, #tpu.memory_space<hbm>> -> memref<24576xf32, #tpu.memory_space<hbm>>
    tpu.enqueue_dma source(%dma_start3A_13 : memref<24576xf32, #tpu.memory_space<hbm>>) target(%arg7 : memref<24576xf32, #tpu.memory_space<vmem>>) target_semaphore(%arg11 : memref<!tpu.dma_semaphore, #tpu.memory_space<semaphore_mem>>)
    %add3A_14 = arith.constant 1 : i32
    %add3A_15 = arith.addi %mul3A_2, %add3A_14 : i32
    %mul3A_16 = arith.constant 24576 : i32
    %mul3A_17 = arith.muli %add3A_15, %mul3A_16 : i32
    %dma_start3A_18 = tpu.memref_slice %arg2[%mul3A_17] : memref<6291456xf32, #tpu.memory_space<hbm>> -> memref<24576xf32, #tpu.memory_space<hbm>>
    %dma_start3A_19 = tpu.memref_slice %arg2[%mul3A_17] : memref<6291456xf32, #tpu.memory_space<hbm>> -> memref<24576xf32, #tpu.memory_space<hbm>>
    tpu.enqueue_dma source(%dma_start3A_19 : memref<24576xf32, #tpu.memory_space<hbm>>) target(%arg8 : memref<24576xf32, #tpu.memory_space<vmem>>) target_semaphore(%arg12 : memref<!tpu.dma_semaphore, #tpu.memory_space<semaphore_mem>>)
    %add3A_20 = arith.constant 0 : i32
    %add3A_21 = arith.addi %mul3A_2, %add3A_20 : i32
    %mul3A_22 = arith.constant 24576 : i32
    %mul3A_23 = arith.muli %add3A_21, %mul3A_22 : i32
    %dma_wait3A = tpu.memref_slice %arg2[%mul3A_23] : memref<6291456xf32, #tpu.memory_space<hbm>> -> memref<24576xf32, #tpu.memory_space<hbm>>
    %dma_wait3A_24 = tpu.memref_slice %arg2[%mul3A_23] : memref<6291456xf32, #tpu.memory_space<hbm>> -> memref<24576xf32, #tpu.memory_space<hbm>>
    tpu.wait_dma2 semaphore(%arg11 : memref<!tpu.dma_semaphore, #tpu.memory_space<semaphore_mem>>) src(%dma_wait3A_24 : memref<24576xf32, #tpu.memory_space<hbm>>) dst(%arg7 : memref<24576xf32, #tpu.memory_space<vmem>>)
    %scan3A_25 = arith.constant 0 : i32
    %scan3A_26 = arith.constant 0 : i32
    %scan3A_27 = arith.constant 1536 : i32
    %scan3A_28 = arith.addi %scan3A_26, %scan3A_27 : i32
    %scan3A_29 = arith.constant 8 : i32
    %scan3A_30 = scf.for %scan3A_138 = %scan3A_26 to %scan3A_28 step %scan3A_29 iter_args(%scan3A_139 = %scan3A_25) -> (i32)  : i32 {
      %mul3A_140 = arith.constant 16 : i32
      %mul3A_141 = arith.muli %scan3A_138, %mul3A_140 : i32
      %get3A = arith.index_cast %mul3A_141 : i32 to index
      %get3A_142 = tpu.vector_load %arg6[%get3A] {strides = array<i32>} : memref<24576xi32, #tpu.memory_space<vmem>>, vector<16xi32>,
      %gather3A = tpu.vector_load_idx %arg7[%get3A_142] : memref<24576xf32, #tpu.memory_space<vmem>>[vector<16xi32>], vector<16xf32>,
      %swap3A = arith.index_cast %mul3A_141 : i32 to index
      %swap3A_143 = tpu.vector_load %arg9[%swap3A] {strides = array<i32>} : memref<24576xf32, #tpu.memory_space<vmem>>, vector<16xf32>,
      tpu.vector_store %arg9[%swap3A], %gather3A {strides = array<i32>} : memref<24576xf32, #tpu.memory_space<vmem>>, vector<16xf32>,
      %scan3A_144 = arith.constant 0 : i32
      %scan3A_145 = arith.constant 1 : i32
      %scan3A_146 = arith.addi %scan3A_138, %scan3A_145 : i32
      %mul3A_147 = arith.constant 16 : i32
      %mul3A_148 = arith.muli %scan3A_146, %mul3A_147 : i32
      %get3A_149 = arith.index_cast %mul3A_148 : i32 to index
      %get3A_150 = tpu.vector_load %arg6[%get3A_149] {strides = array<i32>} : memref<24576xi32, #tpu.memory_space<vmem>>, vector<16xi32>,
      %gather3A_151 = tpu.vector_load_idx %arg7[%get3A_150] : memref<24576xf32, #tpu.memory_space<vmem>>[vector<16xi32>], vector<16xf32>,
      %swap3A_152 = arith.index_cast %mul3A_148 : i32 to index
      %swap3A_153 = tpu.vector_load %arg9[%swap3A_152] {strides = array<i32>} : memref<24576xf32, #tpu.memory_space<vmem>>, vector<16xf32>,
      tpu.vector_store %arg9[%swap3A_152], %gather3A_151 {strides = array<i32>} : memref<24576xf32, #tpu.memory_space<vmem>>, vector<16xf32>,
      %scan3A_154 = arith.constant 0 : i32
      %scan3A_155 = arith.constant 2 : i32
      %scan3A_156 = arith.addi %scan3A_138, %scan3A_155 : i32
      %mul3A_157 = arith.constant 16 : i32
      %mul3A_158 = arith.muli %scan3A_156, %mul3A_157 : i32
      %get3A_159 = arith.index_cast %mul3A_158 : i32 to index
      %get3A_160 = tpu.vector_load %arg6[%get3A_159] {strides = array<i32>} : memref<24576xi32, #tpu.memory_space<vmem>>, vector<16xi32>,
      %gather3A_161 = tpu.vector_load_idx %arg7[%get3A_160] : memref<24576xf32, #tpu.memory_space<vmem>>[vector<16xi32>], vector<16xf32>,
      %swap3A_162 = arith.index_cast %mul3A_158 : i32 to index
      %swap3A_163 = tpu.vector_load %arg9[%swap3A_162] {strides = array<i32>} : memref<24576xf32, #tpu.memory_space<vmem>>, vector<16xf32>,
      tpu.vector_store %arg9[%swap3A_162], %gather3A_161 {strides = array<i32>} : memref<24576xf32, #tpu.memory_space<vmem>>, vector<16xf32>,
      %scan3A_164 = arith.constant 0 : i32
      %scan3A_165 = arith.constant 3 : i32
      %scan3A_166 = arith.addi %scan3A_138, %scan3A_165 : i32
      %mul3A_167 = arith.constant 16 : i32
      %mul3A_168 = arith.muli %scan3A_166, %mul3A_167 : i32
      %get3A_169 = arith.index_cast %mul3A_168 : i32 to index
      %get3A_170 = tpu.vector_load %arg6[%get3A_169] {strides = array<i32>} : memref<24576xi32, #tpu.memory_space<vmem>>, vector<16xi32>,
      %gather3A_171 = tpu.vector_load_idx %arg7[%get3A_170] : memref<24576xf32, #tpu.memory_space<vmem>>[vector<16xi32>], vector<16xf32>,
      %swap3A_172 = arith.index_cast %mul3A_168 : i32 to index
      %swap3A_173 = tpu.vector_load %arg9[%swap3A_172] {strides = array<i32>} : memref<24576xf32, #tpu.memory_space<vmem>>, vector<16xf32>,
      tpu.vector_store %arg9[%swap3A_172], %gather3A_171 {strides = array<i32>} : memref<24576xf32, #tpu.memory_space<vmem>>, vector<16xf32>,
      %scan3A_174 = arith.constant 0 : i32
      %scan3A_175 = arith.constant 4 : i32
      %scan3A_176 = arith.addi %scan3A_138, %scan3A_175 : i32
      %mul3A_177 = arith.constant 16 : i32
      %mul3A_178 = arith.muli %scan3A_176, %mul3A_177 : i32
      %get3A_179 = arith.index_cast %mul3A_178 : i32 to index
      %get3A_180 = tpu.vector_load %arg6[%get3A_179] {strides = array<i32>} : memref<24576xi32, #tpu.memory_space<vmem>>, vector<16xi32>,
      %gather3A_181 = tpu.vector_load_idx %arg7[%get3A_180] : memref<24576xf32, #tpu.memory_space<vmem>>[vector<16xi32>], vector<16xf32>,
      %swap3A_182 = arith.index_cast %mul3A_178 : i32 to index
      %swap3A_183 = tpu.vector_load %arg9[%swap3A_182] {strides = array<i32>} : memref<24576xf32, #tpu.memory_space<vmem>>, vector<16xf32>,
      tpu.vector_store %arg9[%swap3A_182], %gather3A_181 {strides = array<i32>} : memref<24576xf32, #tpu.memory_space<vmem>>, vector<16xf32>,
      %scan3A_184 = arith.constant 0 : i32
      %scan3A_185 = arith.constant 5 : i32
      %scan3A_186 = arith.addi %scan3A_138, %scan3A_185 : i32
      %mul3A_187 = arith.constant 16 : i32
      %mul3A_188 = arith.muli %scan3A_186, %mul3A_187 : i32
      %get3A_189 = arith.index_cast %mul3A_188 : i32 to index
      %get3A_190 = tpu.vector_load %arg6[%get3A_189] {strides = array<i32>} : memref<24576xi32, #tpu.memory_space<vmem>>, vector<16xi32>,
      %gather3A_191 = tpu.vector_load_idx %arg7[%get3A_190] : memref<24576xf32, #tpu.memory_space<vmem>>[vector<16xi32>], vector<16xf32>,
      %swap3A_192 = arith.index_cast %mul3A_188 : i32 to index
      %swap3A_193 = tpu.vector_load %arg9[%swap3A_192] {strides = array<i32>} : memref<24576xf32, #tpu.memory_space<vmem>>, vector<16xf32>,
      tpu.vector_store %arg9[%swap3A_192], %gather3A_191 {strides = array<i32>} : memref<24576xf32, #tpu.memory_space<vmem>>, vector<16xf32>,
      %scan3A_194 = arith.constant 0 : i32
      %scan3A_195 = arith.constant 6 : i32
      %scan3A_196 = arith.addi %scan3A_138, %scan3A_195 : i32
      %mul3A_197 = arith.constant 16 : i32
      %mul3A_198 = arith.muli %scan3A_196, %mul3A_197 : i32
      %get3A_199 = arith.index_cast %mul3A_198 : i32 to index
      %get3A_200 = tpu.vector_load %arg6[%get3A_199] {strides = array<i32>} : memref<24576xi32, #tpu.memory_space<vmem>>, vector<16xi32>,
      %gather3A_201 = tpu.vector_load_idx %arg7[%get3A_200] : memref<24576xf32, #tpu.memory_space<vmem>>[vector<16xi32>], vector<16xf32>,
      %swap3A_202 = arith.index_cast %mul3A_198 : i32 to index
      %swap3A_203 = tpu.vector_load %arg9[%swap3A_202] {strides = array<i32>} : memref<24576xf32, #tpu.memory_space<vmem>>, vector<16xf32>,
      tpu.vector_store %arg9[%swap3A_202], %gather3A_201 {strides = array<i32>} : memref<24576xf32, #tpu.memory_space<vmem>>, vector<16xf32>,
      %scan3A_204 = arith.constant 0 : i32
      %scan3A_205 = arith.constant 7 : i32
      %scan3A_206 = arith.addi %scan3A_138, %scan3A_205 : i32
      %mul3A_207 = arith.constant 16 : i32
      %mul3A_208 = arith.muli %scan3A_206, %mul3A_207 : i32
      %get3A_209 = arith.index_cast %mul3A_208 : i32 to index
      %get3A_210 = tpu.vector_load %arg6[%get3A_209] {strides = array<i32>} : memref<24576xi32, #tpu.memory_space<vmem>>, vector<16xi32>,
      %gather3A_211 = tpu.vector_load_idx %arg7[%get3A_210] : memref<24576xf32, #tpu.memory_space<vmem>>[vector<16xi32>], vector<16xf32>,
      %swap3A_212 = arith.index_cast %mul3A_208 : i32 to index
      %swap3A_213 = tpu.vector_load %arg9[%swap3A_212] {strides = array<i32>} : memref<24576xf32, #tpu.memory_space<vmem>>, vector<16xf32>,
      tpu.vector_store %arg9[%swap3A_212], %gather3A_211 {strides = array<i32>} : memref<24576xf32, #tpu.memory_space<vmem>>, vector<16xf32>,
      %scan3A_214 = arith.constant 0 : i32
      scf.yield %scan3A_214 : i32
    }
    %scan3A_31 = arith.constant 1536 : i32
    %add3A_32 = arith.constant 0 : i32
    %add3A_33 = arith.addi %mul3A_2, %add3A_32 : i32
    %mul3A_34 = arith.constant 24576 : i32
    %mul3A_35 = arith.muli %add3A_33, %mul3A_34 : i32
    %dma_start3A_36 = tpu.memref_slice %arg4[%mul3A_35] : memref<6291456xf32, #tpu.memory_space<hbm>> -> memref<24576xf32, #tpu.memory_space<hbm>>
    %dma_start3A_37 = tpu.memref_slice %arg4[%mul3A_35] : memref<6291456xf32, #tpu.memory_space<hbm>> -> memref<24576xf32, #tpu.memory_space<hbm>>
    tpu.enqueue_dma source(%arg9 : memref<24576xf32, #tpu.memory_space<vmem>>) target(%dma_start3A_37 : memref<24576xf32, #tpu.memory_space<hbm>>) target_semaphore(%arg13 : memref<!tpu.dma_semaphore, #tpu.memory_space<semaphore_mem>>)
    %add3A_38 = arith.constant 2 : i32
    %add3A_39 = arith.addi %mul3A_2, %add3A_38 : i32
    %mul3A_40 = arith.constant 24576 : i32
    %mul3A_41 = arith.muli %add3A_39, %mul3A_40 : i32
    %dma_start3A_42 = tpu.memref_slice %arg2[%mul3A_41] : memref<6291456xf32, #tpu.memory_space<hbm>> -> memref<24576xf32, #tpu.memory_space<hbm>>
    %dma_start3A_43 = tpu.memref_slice %arg2[%mul3A_41] : memref<6291456xf32, #tpu.memory_space<hbm>> -> memref<24576xf32, #tpu.memory_space<hbm>>
    tpu.enqueue_dma source(%dma_start3A_43 : memref<24576xf32, #tpu.memory_space<hbm>>) target(%arg7 : memref<24576xf32, #tpu.memory_space<vmem>>) target_semaphore(%arg11 : memref<!tpu.dma_semaphore, #tpu.memory_space<semaphore_mem>>)
    %add3A_44 = arith.constant 1 : i32
    %add3A_45 = arith.addi %mul3A_2, %add3A_44 : i32
    %mul3A_46 = arith.constant 24576 : i32
    %mul3A_47 = arith.muli %add3A_45, %mul3A_46 : i32
    %dma_wait3A_48 = tpu.memref_slice %arg2[%mul3A_47] : memref<6291456xf32, #tpu.memory_space<hbm>> -> memref<24576xf32, #tpu.memory_space<hbm>>
    %dma_wait3A_49 = tpu.memref_slice %arg2[%mul3A_47] : memref<6291456xf32, #tpu.memory_space<hbm>> -> memref<24576xf32, #tpu.memory_space<hbm>>
    tpu.wait_dma2 semaphore(%arg12 : memref<!tpu.dma_semaphore, #tpu.memory_space<semaphore_mem>>) src(%dma_wait3A_49 : memref<24576xf32, #tpu.memory_space<hbm>>) dst(%arg8 : memref<24576xf32, #tpu.memory_space<vmem>>)
    %scan3A_50 = arith.constant 0 : i32
    %scan3A_51 = arith.constant 0 : i32
    %scan3A_52 = arith.constant 1536 : i32
    %scan3A_53 = arith.addi %scan3A_51, %scan3A_52 : i32
    %scan3A_54 = arith.constant 8 : i32
    %scan3A_55 = scf.for %scan3A_138 = %scan3A_51 to %scan3A_53 step %scan3A_54 iter_args(%scan3A_139 = %scan3A_50) -> (i32)  : i32 {
      %mul3A_140 = arith.constant 16 : i32
      %mul3A_141 = arith.muli %scan3A_138, %mul3A_140 : i32
      %get3A = arith.index_cast %mul3A_141 : i32 to index
      %get3A_142 = tpu.vector_load %arg6[%get3A] {strides = array<i32>} : memref<24576xi32, #tpu.memory_space<vmem>>, vector<16xi32>,
      %gather3A = tpu.vector_load_idx %arg8[%get3A_142] : memref<24576xf32, #tpu.memory_space<vmem>>[vector<16xi32>], vector<16xf32>,
      %swap3A = arith.index_cast %mul3A_141 : i32 to index
      %swap3A_143 = tpu.vector_load %arg10[%swap3A] {strides = array<i32>} : memref<24576xf32, #tpu.memory_space<vmem>>, vector<16xf32>,
      tpu.vector_store %arg10[%swap3A], %gather3A {strides = array<i32>} : memref<24576xf32, #tpu.memory_space<vmem>>, vector<16xf32>,
      %scan3A_144 = arith.constant 0 : i32
      %scan3A_145 = arith.constant 1 : i32
      %scan3A_146 = arith.addi %scan3A_138, %scan3A_145 : i32
      %mul3A_147 = arith.constant 16 : i32
      %mul3A_148 = arith.muli %scan3A_146, %mul3A_147 : i32
      %get3A_149 = arith.index_cast %mul3A_148 : i32 to index
      %get3A_150 = tpu.vector_load %arg6[%get3A_149] {strides = array<i32>} : memref<24576xi32, #tpu.memory_space<vmem>>, vector<16xi32>,
      %gather3A_151 = tpu.vector_load_idx %arg8[%get3A_150] : memref<24576xf32, #tpu.memory_space<vmem>>[vector<16xi32>], vector<16xf32>,
      %swap3A_152 = arith.index_cast %mul3A_148 : i32 to index
      %swap3A_153 = tpu.vector_load %arg10[%swap3A_152] {strides = array<i32>} : memref<24576xf32, #tpu.memory_space<vmem>>, vector<16xf32>,
      tpu.vector_store %arg10[%swap3A_152], %gather3A_151 {strides = array<i32>} : memref<24576xf32, #tpu.memory_space<vmem>>, vector<16xf32>,
      %scan3A_154 = arith.constant 0 : i32
      %scan3A_155 = arith.constant 2 : i32
      %scan3A_156 = arith.addi %scan3A_138, %scan3A_155 : i32
      %mul3A_157 = arith.constant 16 : i32
      %mul3A_158 = arith.muli %scan3A_156, %mul3A_157 : i32
      %get3A_159 = arith.index_cast %mul3A_158 : i32 to index
      %get3A_160 = tpu.vector_load %arg6[%get3A_159] {strides = array<i32>} : memref<24576xi32, #tpu.memory_space<vmem>>, vector<16xi32>,
      %gather3A_161 = tpu.vector_load_idx %arg8[%get3A_160] : memref<24576xf32, #tpu.memory_space<vmem>>[vector<16xi32>], vector<16xf32>,
      %swap3A_162 = arith.index_cast %mul3A_158 : i32 to index
      %swap3A_163 = tpu.vector_load %arg10[%swap3A_162] {strides = array<i32>} : memref<24576xf32, #tpu.memory_space<vmem>>, vector<16xf32>,
      tpu.vector_store %arg10[%swap3A_162], %gather3A_161 {strides = array<i32>} : memref<24576xf32, #tpu.memory_space<vmem>>, vector<16xf32>,
      %scan3A_164 = arith.constant 0 : i32
      %scan3A_165 = arith.constant 3 : i32
      %scan3A_166 = arith.addi %scan3A_138, %scan3A_165 : i32
      %mul3A_167 = arith.constant 16 : i32
      %mul3A_168 = arith.muli %scan3A_166, %mul3A_167 : i32
      %get3A_169 = arith.index_cast %mul3A_168 : i32 to index
      %get3A_170 = tpu.vector_load %arg6[%get3A_169] {strides = array<i32>} : memref<24576xi32, #tpu.memory_space<vmem>>, vector<16xi32>,
      %gather3A_171 = tpu.vector_load_idx %arg8[%get3A_170] : memref<24576xf32, #tpu.memory_space<vmem>>[vector<16xi32>], vector<16xf32>,
      %swap3A_172 = arith.index_cast %mul3A_168 : i32 to index
      %swap3A_173 = tpu.vector_load %arg10[%swap3A_172] {strides = array<i32>} : memref<24576xf32, #tpu.memory_space<vmem>>, vector<16xf32>,
      tpu.vector_store %arg10[%swap3A_172], %gather3A_171 {strides = array<i32>} : memref<24576xf32, #tpu.memory_space<vmem>>, vector<16xf32>,
      %scan3A_174 = arith.constant 0 : i32
      %scan3A_175 = arith.constant 4 : i32
      %scan3A_176 = arith.addi %scan3A_138, %scan3A_175 : i32
      %mul3A_177 = arith.constant 16 : i32
      %mul3A_178 = arith.muli %scan3A_176, %mul3A_177 : i32
      %get3A_179 = arith.index_cast %mul3A_178 : i32 to index
      %get3A_180 = tpu.vector_load %arg6[%get3A_179] {strides = array<i32>} : memref<24576xi32, #tpu.memory_space<vmem>>, vector<16xi32>,
      %gather3A_181 = tpu.vector_load_idx %arg8[%get3A_180] : memref<24576xf32, #tpu.memory_space<vmem>>[vector<16xi32>], vector<16xf32>,
      %swap3A_182 = arith.index_cast %mul3A_178 : i32 to index
      %swap3A_183 = tpu.vector_load %arg10[%swap3A_182] {strides = array<i32>} : memref<24576xf32, #tpu.memory_space<vmem>>, vector<16xf32>,
      tpu.vector_store %arg10[%swap3A_182], %gather3A_181 {strides = array<i32>} : memref<24576xf32, #tpu.memory_space<vmem>>, vector<16xf32>,
      %scan3A_184 = arith.constant 0 : i32
      %scan3A_185 = arith.constant 5 : i32
      %scan3A_186 = arith.addi %scan3A_138, %scan3A_185 : i32
      %mul3A_187 = arith.constant 16 : i32
      %mul3A_188 = arith.muli %scan3A_186, %mul3A_187 : i32
      %get3A_189 = arith.index_cast %mul3A_188 : i32 to index
      %get3A_190 = tpu.vector_load %arg6[%get3A_189] {strides = array<i32>} : memref<24576xi32, #tpu.memory_space<vmem>>, vector<16xi32>,
      %gather3A_191 = tpu.vector_load_idx %arg8[%get3A_190] : memref<24576xf32, #tpu.memory_space<vmem>>[vector<16xi32>], vector<16xf32>,
      %swap3A_192 = arith.index_cast %mul3A_188 : i32 to index
      %swap3A_193 = tpu.vector_load %arg10[%swap3A_192] {strides = array<i32>} : memref<24576xf32, #tpu.memory_space<vmem>>, vector<16xf32>,
      tpu.vector_store %arg10[%swap3A_192], %gather3A_191 {strides = array<i32>} : memref<24576xf32, #tpu.memory_space<vmem>>, vector<16xf32>,
      %scan3A_194 = arith.constant 0 : i32
      %scan3A_195 = arith.constant 6 : i32
      %scan3A_196 = arith.addi %scan3A_138, %scan3A_195 : i32
      %mul3A_197 = arith.constant 16 : i32
      %mul3A_198 = arith.muli %scan3A_196, %mul3A_197 : i32
      %get3A_199 = arith.index_cast %mul3A_198 : i32 to index
      %get3A_200 = tpu.vector_load %arg6[%get3A_199] {strides = array<i32>} : memref<24576xi32, #tpu.memory_space<vmem>>, vector<16xi32>,
      %gather3A_201 = tpu.vector_load_idx %arg8[%get3A_200] : memref<24576xf32, #tpu.memory_space<vmem>>[vector<16xi32>], vector<16xf32>,
      %swap3A_202 = arith.index_cast %mul3A_198 : i32 to index
      %swap3A_203 = tpu.vector_load %arg10[%swap3A_202] {strides = array<i32>} : memref<24576xf32, #tpu.memory_space<vmem>>, vector<16xf32>,
      tpu.vector_store %arg10[%swap3A_202], %gather3A_201 {strides = array<i32>} : memref<24576xf32, #tpu.memory_space<vmem>>, vector<16xf32>,
      %scan3A_204 = arith.constant 0 : i32
      %scan3A_205 = arith.constant 7 : i32
      %scan3A_206 = arith.addi %scan3A_138, %scan3A_205 : i32
      %mul3A_207 = arith.constant 16 : i32
      %mul3A_208 = arith.muli %scan3A_206, %mul3A_207 : i32
      %get3A_209 = arith.index_cast %mul3A_208 : i32 to index
      %get3A_210 = tpu.vector_load %arg6[%get3A_209] {strides = array<i32>} : memref<24576xi32, #tpu.memory_space<vmem>>, vector<16xi32>,
      %gather3A_211 = tpu.vector_load_idx %arg8[%get3A_210] : memref<24576xf32, #tpu.memory_space<vmem>>[vector<16xi32>], vector<16xf32>,
      %swap3A_212 = arith.index_cast %mul3A_208 : i32 to index
      %swap3A_213 = tpu.vector_load %arg10[%swap3A_212] {strides = array<i32>} : memref<24576xf32, #tpu.memory_space<vmem>>, vector<16xf32>,
      tpu.vector_store %arg10[%swap3A_212], %gather3A_211 {strides = array<i32>} : memref<24576xf32, #tpu.memory_space<vmem>>, vector<16xf32>,
      %scan3A_214 = arith.constant 0 : i32
      scf.yield %scan3A_214 : i32
    }
    %scan3A_56 = arith.constant 1536 : i32
    %add3A_57 = arith.constant 1 : i32
    %add3A_58 = arith.addi %mul3A_2, %add3A_57 : i32
    %mul3A_59 = arith.constant 24576 : i32
    %mul3A_60 = arith.muli %add3A_58, %mul3A_59 : i32
    %dma_start3A_61 = tpu.memref_slice %arg4[%mul3A_60] : memref<6291456xf32, #tpu.memory_space<hbm>> -> memref<24576xf32, #tpu.memory_space<hbm>>
    %dma_start3A_62 = tpu.memref_slice %arg4[%mul3A_60] : memref<6291456xf32, #tpu.memory_space<hbm>> -> memref<24576xf32, #tpu.memory_space<hbm>>
    tpu.enqueue_dma source(%arg10 : memref<24576xf32, #tpu.memory_space<vmem>>) target(%dma_start3A_62 : memref<24576xf32, #tpu.memory_space<hbm>>) target_semaphore(%arg14 : memref<!tpu.dma_semaphore, #tpu.memory_space<semaphore_mem>>)
    %add3A_63 = arith.constant 3 : i32
    %add3A_64 = arith.addi %mul3A_2, %add3A_63 : i32
    %mul3A_65 = arith.constant 24576 : i32
    %mul3A_66 = arith.muli %add3A_64, %mul3A_65 : i32
    %dma_start3A_67 = tpu.memref_slice %arg2[%mul3A_66] : memref<6291456xf32, #tpu.memory_space<hbm>> -> memref<24576xf32, #tpu.memory_space<hbm>>
    %dma_start3A_68 = tpu.memref_slice %arg2[%mul3A_66] : memref<6291456xf32, #tpu.memory_space<hbm>> -> memref<24576xf32, #tpu.memory_space<hbm>>
    tpu.enqueue_dma source(%dma_start3A_68 : memref<24576xf32, #tpu.memory_space<hbm>>) target(%arg8 : memref<24576xf32, #tpu.memory_space<vmem>>) target_semaphore(%arg12 : memref<!tpu.dma_semaphore, #tpu.memory_space<semaphore_mem>>)
    %scan3A_69 = arith.constant 0 : i32
    %scan3A_70 = arith.constant 1 : i32
    %scan3A_71 = arith.constant 2 : i32
    %scan3A_72 = arith.addi %scan3A_70, %scan3A_71 : i32
    %scan3A_73 = arith.constant 1 : i32
    %scan3A_74 = scf.for %scan3A_138 = %scan3A_70 to %scan3A_72 step %scan3A_73 iter_args(%scan3A_139 = %scan3A_69) -> (i32)  : i32 {
      %mul3A_140 = arith.constant 2 : i32
      %mul3A_141 = arith.muli %mul3A_140, %scan3A_138 : i32
      %add3A_142 = arith.addi %mul3A_2, %mul3A_141 : i32
      %mul3A_143 = arith.constant 24576 : i32
      %mul3A_144 = arith.muli %add3A_142, %mul3A_143 : i32
      %dma_wait3A_145 = tpu.memref_slice %arg2[%mul3A_144] : memref<6291456xf32, #tpu.memory_space<hbm>> -> memref<24576xf32, #tpu.memory_space<hbm>>
      %dma_wait3A_146 = tpu.memref_slice %arg2[%mul3A_144] : memref<6291456xf32, #tpu.memory_space<hbm>> -> memref<24576xf32, #tpu.memory_space<hbm>>
      tpu.wait_dma2 semaphore(%arg11 : memref<!tpu.dma_semaphore, #tpu.memory_space<semaphore_mem>>) src(%dma_wait3A_146 : memref<24576xf32, #tpu.memory_space<hbm>>) dst(%arg7 : memref<24576xf32, #tpu.memory_space<vmem>>)
      %sub3A = arith.constant 2 : i32
      %sub3A_147 = arith.subi %mul3A_141, %sub3A : i32
      %add3A_148 = arith.addi %mul3A_2, %sub3A_147 : i32
      %mul3A_149 = arith.constant 24576 : i32
      %mul3A_150 = arith.muli %add3A_148, %mul3A_149 : i32
      %dma_wait3A_151 = tpu.memref_slice %arg4[%mul3A_150] : memref<6291456xf32, #tpu.memory_space<hbm>> -> memref<24576xf32, #tpu.memory_space<hbm>>
      %dma_wait3A_152 = tpu.memref_slice %arg4[%mul3A_150] : memref<6291456xf32, #tpu.memory_space<hbm>> -> memref<24576xf32, #tpu.memory_space<hbm>>
      tpu.wait_dma2 semaphore(%arg13 : memref<!tpu.dma_semaphore, #tpu.memory_space<semaphore_mem>>) src(%arg9 : memref<24576xf32, #tpu.memory_space<vmem>>) dst(%dma_wait3A_152 : memref<24576xf32, #tpu.memory_space<hbm>>)
      %scan3A_153 = arith.constant 0 : i32
      %scan3A_154 = arith.constant 0 : i32
      %scan3A_155 = arith.constant 1536 : i32
      %scan3A_156 = arith.addi %scan3A_154, %scan3A_155 : i32
      %scan3A_157 = arith.constant 8 : i32
      %scan3A_158 = scf.for %scan3A_208 = %scan3A_154 to %scan3A_156 step %scan3A_157 iter_args(%scan3A_209 = %scan3A_153) -> (i32)  : i32 {
        %mul3A_210 = arith.constant 16 : i32
        %mul3A_211 = arith.muli %scan3A_208, %mul3A_210 : i32
        %get3A = arith.index_cast %mul3A_211 : i32 to index
        %get3A_212 = tpu.vector_load %arg6[%get3A] {strides = array<i32>} : memref<24576xi32, #tpu.memory_space<vmem>>, vector<16xi32>,
        %gather3A = tpu.vector_load_idx %arg7[%get3A_212] : memref<24576xf32, #tpu.memory_space<vmem>>[vector<16xi32>], vector<16xf32>,
        %swap3A = arith.index_cast %mul3A_211 : i32 to index
        %swap3A_213 = tpu.vector_load %arg9[%swap3A] {strides = array<i32>} : memref<24576xf32, #tpu.memory_space<vmem>>, vector<16xf32>,
        tpu.vector_store %arg9[%swap3A], %gather3A {strides = array<i32>} : memref<24576xf32, #tpu.memory_space<vmem>>, vector<16xf32>,
        %scan3A_214 = arith.constant 0 : i32
        %scan3A_215 = arith.constant 1 : i32
        %scan3A_216 = arith.addi %scan3A_208, %scan3A_215 : i32
        %mul3A_217 = arith.constant 16 : i32
        %mul3A_218 = arith.muli %scan3A_216, %mul3A_217 : i32
        %get3A_219 = arith.index_cast %mul3A_218 : i32 to index
        %get3A_220 = tpu.vector_load %arg6[%get3A_219] {strides = array<i32>} : memref<24576xi32, #tpu.memory_space<vmem>>, vector<16xi32>,
        %gather3A_221 = tpu.vector_load_idx %arg7[%get3A_220] : memref<24576xf32, #tpu.memory_space<vmem>>[vector<16xi32>], vector<16xf32>,
        %swap3A_222 = arith.index_cast %mul3A_218 : i32 to index
        %swap3A_223 = tpu.vector_load %arg9[%swap3A_222] {strides = array<i32>} : memref<24576xf32, #tpu.memory_space<vmem>>, vector<16xf32>,
        tpu.vector_store %arg9[%swap3A_222], %gather3A_221 {strides = array<i32>} : memref<24576xf32, #tpu.memory_space<vmem>>, vector<16xf32>,
        %scan3A_224 = arith.constant 0 : i32
        %scan3A_225 = arith.constant 2 : i32
        %scan3A_226 = arith.addi %scan3A_208, %scan3A_225 : i32
        %mul3A_227 = arith.constant 16 : i32
        %mul3A_228 = arith.muli %scan3A_226, %mul3A_227 : i32
        %get3A_229 = arith.index_cast %mul3A_228 : i32 to index
        %get3A_230 = tpu.vector_load %arg6[%get3A_229] {strides = array<i32>} : memref<24576xi32, #tpu.memory_space<vmem>>, vector<16xi32>,
        %gather3A_231 = tpu.vector_load_idx %arg7[%get3A_230] : memref<24576xf32, #tpu.memory_space<vmem>>[vector<16xi32>], vector<16xf32>,
        %swap3A_232 = arith.index_cast %mul3A_228 : i32 to index
        %swap3A_233 = tpu.vector_load %arg9[%swap3A_232] {strides = array<i32>} : memref<24576xf32, #tpu.memory_space<vmem>>, vector<16xf32>,
        tpu.vector_store %arg9[%swap3A_232], %gather3A_231 {strides = array<i32>} : memref<24576xf32, #tpu.memory_space<vmem>>, vector<16xf32>,
        %scan3A_234 = arith.constant 0 : i32
        %scan3A_235 = arith.constant 3 : i32
        %scan3A_236 = arith.addi %scan3A_208, %scan3A_235 : i32
        %mul3A_237 = arith.constant 16 : i32
        %mul3A_238 = arith.muli %scan3A_236, %mul3A_237 : i32
        %get3A_239 = arith.index_cast %mul3A_238 : i32 to index
        %get3A_240 = tpu.vector_load %arg6[%get3A_239] {strides = array<i32>} : memref<24576xi32, #tpu.memory_space<vmem>>, vector<16xi32>,
        %gather3A_241 = tpu.vector_load_idx %arg7[%get3A_240] : memref<24576xf32, #tpu.memory_space<vmem>>[vector<16xi32>], vector<16xf32>,
        %swap3A_242 = arith.index_cast %mul3A_238 : i32 to index
        %swap3A_243 = tpu.vector_load %arg9[%swap3A_242] {strides = array<i32>} : memref<24576xf32, #tpu.memory_space<vmem>>, vector<16xf32>,
        tpu.vector_store %arg9[%swap3A_242], %gather3A_241 {strides = array<i32>} : memref<24576xf32, #tpu.memory_space<vmem>>, vector<16xf32>,
        %scan3A_244 = arith.constant 0 : i32
        %scan3A_245 = arith.constant 4 : i32
        %scan3A_246 = arith.addi %scan3A_208, %scan3A_245 : i32
        %mul3A_247 = arith.constant 16 : i32
        %mul3A_248 = arith.muli %scan3A_246, %mul3A_247 : i32
        %get3A_249 = arith.index_cast %mul3A_248 : i32 to index
        %get3A_250 = tpu.vector_load %arg6[%get3A_249] {strides = array<i32>} : memref<24576xi32, #tpu.memory_space<vmem>>, vector<16xi32>,
        %gather3A_251 = tpu.vector_load_idx %arg7[%get3A_250] : memref<24576xf32, #tpu.memory_space<vmem>>[vector<16xi32>], vector<16xf32>,
        %swap3A_252 = arith.index_cast %mul3A_248 : i32 to index
        %swap3A_253 = tpu.vector_load %arg9[%swap3A_252] {strides = array<i32>} : memref<24576xf32, #tpu.memory_space<vmem>>, vector<16xf32>,
        tpu.vector_store %arg9[%swap3A_252], %gather3A_251 {strides = array<i32>} : memref<24576xf32, #tpu.memory_space<vmem>>, vector<16xf32>,
        %scan3A_254 = arith.constant 0 : i32
        %scan3A_255 = arith.constant 5 : i32
        %scan3A_256 = arith.addi %scan3A_208, %scan3A_255 : i32
        %mul3A_257 = arith.constant 16 : i32
        %mul3A_258 = arith.muli %scan3A_256, %mul3A_257 : i32
        %get3A_259 = arith.index_cast %mul3A_258 : i32 to index
        %get3A_260 = tpu.vector_load %arg6[%get3A_259] {strides = array<i32>} : memref<24576xi32, #tpu.memory_space<vmem>>, vector<16xi32>,
        %gather3A_261 = tpu.vector_load_idx %arg7[%get3A_260] : memref<24576xf32, #tpu.memory_space<vmem>>[vector<16xi32>], vector<16xf32>,
        %swap3A_262 = arith.index_cast %mul3A_258 : i32 to index
        %swap3A_263 = tpu.vector_load %arg9[%swap3A_262] {strides = array<i32>} : memref<24576xf32, #tpu.memory_space<vmem>>, vector<16xf32>,
        tpu.vector_store %arg9[%swap3A_262], %gather3A_261 {strides = array<i32>} : memref<24576xf32, #tpu.memory_space<vmem>>, vector<16xf32>,
        %scan3A_264 = arith.constant 0 : i32
        %scan3A_265 = arith.constant 6 : i32
        %scan3A_266 = arith.addi %scan3A_208, %scan3A_265 : i32
        %mul3A_267 = arith.constant 16 : i32
        %mul3A_268 = arith.muli %scan3A_266, %mul3A_267 : i32
        %get3A_269 = arith.index_cast %mul3A_268 : i32 to index
        %get3A_270 = tpu.vector_load %arg6[%get3A_269] {strides = array<i32>} : memref<24576xi32, #tpu.memory_space<vmem>>, vector<16xi32>,
        %gather3A_271 = tpu.vector_load_idx %arg7[%get3A_270] : memref<24576xf32, #tpu.memory_space<vmem>>[vector<16xi32>], vector<16xf32>,
        %swap3A_272 = arith.index_cast %mul3A_268 : i32 to index
        %swap3A_273 = tpu.vector_load %arg9[%swap3A_272] {strides = array<i32>} : memref<24576xf32, #tpu.memory_space<vmem>>, vector<16xf32>,
        tpu.vector_store %arg9[%swap3A_272], %gather3A_271 {strides = array<i32>} : memref<24576xf32, #tpu.memory_space<vmem>>, vector<16xf32>,
        %scan3A_274 = arith.constant 0 : i32
        %scan3A_275 = arith.constant 7 : i32
        %scan3A_276 = arith.addi %scan3A_208, %scan3A_275 : i32
        %mul3A_277 = arith.constant 16 : i32
        %mul3A_278 = arith.muli %scan3A_276, %mul3A_277 : i32
        %get3A_279 = arith.index_cast %mul3A_278 : i32 to index
        %get3A_280 = tpu.vector_load %arg6[%get3A_279] {strides = array<i32>} : memref<24576xi32, #tpu.memory_space<vmem>>, vector<16xi32>,
        %gather3A_281 = tpu.vector_load_idx %arg7[%get3A_280] : memref<24576xf32, #tpu.memory_space<vmem>>[vector<16xi32>], vector<16xf32>,
        %swap3A_282 = arith.index_cast %mul3A_278 : i32 to index
        %swap3A_283 = tpu.vector_load %arg9[%swap3A_282] {strides = array<i32>} : memref<24576xf32, #tpu.memory_space<vmem>>, vector<16xf32>,
        tpu.vector_store %arg9[%swap3A_282], %gather3A_281 {strides = array<i32>} : memref<24576xf32, #tpu.memory_space<vmem>>, vector<16xf32>,
        %scan3A_284 = arith.constant 0 : i32
        scf.yield %scan3A_284 : i32
      }
      %scan3A_159 = arith.constant 1536 : i32
      %add3A_160 = arith.addi %mul3A_2, %mul3A_141 : i32
      %mul3A_161 = arith.constant 24576 : i32
      %mul3A_162 = arith.muli %add3A_160, %mul3A_161 : i32
      %dma_start3A_163 = tpu.memref_slice %arg4[%mul3A_162] : memref<6291456xf32, #tpu.memory_space<hbm>> -> memref<24576xf32, #tpu.memory_space<hbm>>
      %dma_start3A_164 = tpu.memref_slice %arg4[%mul3A_162] : memref<6291456xf32, #tpu.memory_space<hbm>> -> memref<24576xf32, #tpu.memory_space<hbm>>
      tpu.enqueue_dma source(%arg9 : memref<24576xf32, #tpu.memory_space<vmem>>) target(%dma_start3A_164 : memref<24576xf32, #tpu.memory_space<hbm>>) target_semaphore(%arg13 : memref<!tpu.dma_semaphore, #tpu.memory_space<semaphore_mem>>)
      %add3A_165 = arith.constant 2 : i32
      %add3A_166 = arith.addi %mul3A_141, %add3A_165 : i32
      %add3A_167 = arith.addi %mul3A_2, %add3A_166 : i32
      %mul3A_168 = arith.constant 24576 : i32
      %mul3A_169 = arith.muli %add3A_167, %mul3A_168 : i32
      %dma_start3A_170 = tpu.memref_slice %arg2[%mul3A_169] : memref<6291456xf32, #tpu.memory_space<hbm>> -> memref<24576xf32, #tpu.memory_space<hbm>>
      %dma_start3A_171 = tpu.memref_slice %arg2[%mul3A_169] : memref<6291456xf32, #tpu.memory_space<hbm>> -> memref<24576xf32, #tpu.memory_space<hbm>>
      tpu.enqueue_dma source(%dma_start3A_171 : memref<24576xf32, #tpu.memory_space<hbm>>) target(%arg7 : memref<24576xf32, #tpu.memory_space<vmem>>) target_semaphore(%arg11 : memref<!tpu.dma_semaphore, #tpu.memory_space<semaphore_mem>>)
      %add3A_172 = arith.constant 1 : i32
      %add3A_173 = arith.addi %mul3A_141, %add3A_172 : i32
      %add3A_174 = arith.addi %mul3A_2, %add3A_173 : i32
      %mul3A_175 = arith.constant 24576 : i32
      %mul3A_176 = arith.muli %add3A_174, %mul3A_175 : i32
      %dma_wait3A_177 = tpu.memref_slice %arg2[%mul3A_176] : memref<6291456xf32, #tpu.memory_space<hbm>> -> memref<24576xf32, #tpu.memory_space<hbm>>
      %dma_wait3A_178 = tpu.memref_slice %arg2[%mul3A_176] : memref<6291456xf32, #tpu.memory_space<hbm>> -> memref<24576xf32, #tpu.memory_space<hbm>>
      tpu.wait_dma2 semaphore(%arg12 : memref<!tpu.dma_semaphore, #tpu.memory_space<semaphore_mem>>) src(%dma_wait3A_178 : memref<24576xf32, #tpu.memory_space<hbm>>) dst(%arg8 : memref<24576xf32, #tpu.memory_space<vmem>>)
      %sub3A_179 = arith.constant 1 : i32
      %sub3A_180 = arith.subi %mul3A_141, %sub3A_179 : i32
      %add3A_181 = arith.addi %mul3A_2, %sub3A_180 : i32
      %mul3A_182 = arith.constant 24576 : i32
      %mul3A_183 = arith.muli %add3A_181, %mul3A_182 : i32
      %dma_wait3A_184 = tpu.memref_slice %arg4[%mul3A_183] : memref<6291456xf32, #tpu.memory_space<hbm>> -> memref<24576xf32, #tpu.memory_space<hbm>>
      %dma_wait3A_185 = tpu.memref_slice %arg4[%mul3A_183] : memref<6291456xf32, #tpu.memory_space<hbm>> -> memref<24576xf32, #tpu.memory_space<hbm>>
      tpu.wait_dma2 semaphore(%arg14 : memref<!tpu.dma_semaphore, #tpu.memory_space<semaphore_mem>>) src(%arg10 : memref<24576xf32, #tpu.memory_space<vmem>>) dst(%dma_wait3A_185 : memref<24576xf32, #tpu.memory_space<hbm>>)
      %scan3A_186 = arith.constant 0 : i32
      %scan3A_187 = arith.constant 0 : i32
      %scan3A_188 = arith.constant 1536 : i32
      %scan3A_189 = arith.addi %scan3A_187, %scan3A_188 : i32
      %scan3A_190 = arith.constant 8 : i32
      %scan3A_191 = scf.for %scan3A_208 = %scan3A_187 to %scan3A_189 step %scan3A_190 iter_args(%scan3A_209 = %scan3A_186) -> (i32)  : i32 {
        %mul3A_210 = arith.constant 16 : i32
        %mul3A_211 = arith.muli %scan3A_208, %mul3A_210 : i32
        %get3A = arith.index_cast %mul3A_211 : i32 to index
        %get3A_212 = tpu.vector_load %arg6[%get3A] {strides = array<i32>} : memref<24576xi32, #tpu.memory_space<vmem>>, vector<16xi32>,
        %gather3A = tpu.vector_load_idx %arg8[%get3A_212] : memref<24576xf32, #tpu.memory_space<vmem>>[vector<16xi32>], vector<16xf32>,
        %swap3A = arith.index_cast %mul3A_211 : i32 to index
        %swap3A_213 = tpu.vector_load %arg10[%swap3A] {strides = array<i32>} : memref<24576xf32, #tpu.memory_space<vmem>>, vector<16xf32>,
        tpu.vector_store %arg10[%swap3A], %gather3A {strides = array<i32>} : memref<24576xf32, #tpu.memory_space<vmem>>, vector<16xf32>,
        %scan3A_214 = arith.constant 0 : i32
        %scan3A_215 = arith.constant 1 : i32
        %scan3A_216 = arith.addi %scan3A_208, %scan3A_215 : i32
        %mul3A_217 = arith.constant 16 : i32
        %mul3A_218 = arith.muli %scan3A_216, %mul3A_217 : i32
        %get3A_219 = arith.index_cast %mul3A_218 : i32 to index
        %get3A_220 = tpu.vector_load %arg6[%get3A_219] {strides = array<i32>} : memref<24576xi32, #tpu.memory_space<vmem>>, vector<16xi32>,
        %gather3A_221 = tpu.vector_load_idx %arg8[%get3A_220] : memref<24576xf32, #tpu.memory_space<vmem>>[vector<16xi32>], vector<16xf32>,
        %swap3A_222 = arith.index_cast %mul3A_218 : i32 to index
        %swap3A_223 = tpu.vector_load %arg10[%swap3A_222] {strides = array<i32>} : memref<24576xf32, #tpu.memory_space<vmem>>, vector<16xf32>,
        tpu.vector_store %arg10[%swap3A_222], %gather3A_221 {strides = array<i32>} : memref<24576xf32, #tpu.memory_space<vmem>>, vector<16xf32>,
        %scan3A_224 = arith.constant 0 : i32
        %scan3A_225 = arith.constant 2 : i32
        %scan3A_226 = arith.addi %scan3A_208, %scan3A_225 : i32
        %mul3A_227 = arith.constant 16 : i32
        %mul3A_228 = arith.muli %scan3A_226, %mul3A_227 : i32
        %get3A_229 = arith.index_cast %mul3A_228 : i32 to index
        %get3A_230 = tpu.vector_load %arg6[%get3A_229] {strides = array<i32>} : memref<24576xi32, #tpu.memory_space<vmem>>, vector<16xi32>,
        %gather3A_231 = tpu.vector_load_idx %arg8[%get3A_230] : memref<24576xf32, #tpu.memory_space<vmem>>[vector<16xi32>], vector<16xf32>,
        %swap3A_232 = arith.index_cast %mul3A_228 : i32 to index
        %swap3A_233 = tpu.vector_load %arg10[%swap3A_232] {strides = array<i32>} : memref<24576xf32, #tpu.memory_space<vmem>>, vector<16xf32>,
        tpu.vector_store %arg10[%swap3A_232], %gather3A_231 {strides = array<i32>} : memref<24576xf32, #tpu.memory_space<vmem>>, vector<16xf32>,
        %scan3A_234 = arith.constant 0 : i32
        %scan3A_235 = arith.constant 3 : i32
        %scan3A_236 = arith.addi %scan3A_208, %scan3A_235 : i32
        %mul3A_237 = arith.constant 16 : i32
        %mul3A_238 = arith.muli %scan3A_236, %mul3A_237 : i32
        %get3A_239 = arith.index_cast %mul3A_238 : i32 to index
        %get3A_240 = tpu.vector_load %arg6[%get3A_239] {strides = array<i32>} : memref<24576xi32, #tpu.memory_space<vmem>>, vector<16xi32>,
        %gather3A_241 = tpu.vector_load_idx %arg8[%get3A_240] : memref<24576xf32, #tpu.memory_space<vmem>>[vector<16xi32>], vector<16xf32>,
        %swap3A_242 = arith.index_cast %mul3A_238 : i32 to index
        %swap3A_243 = tpu.vector_load %arg10[%swap3A_242] {strides = array<i32>} : memref<24576xf32, #tpu.memory_space<vmem>>, vector<16xf32>,
        tpu.vector_store %arg10[%swap3A_242], %gather3A_241 {strides = array<i32>} : memref<24576xf32, #tpu.memory_space<vmem>>, vector<16xf32>,
        %scan3A_244 = arith.constant 0 : i32
        %scan3A_245 = arith.constant 4 : i32
        %scan3A_246 = arith.addi %scan3A_208, %scan3A_245 : i32
        %mul3A_247 = arith.constant 16 : i32
        %mul3A_248 = arith.muli %scan3A_246, %mul3A_247 : i32
        %get3A_249 = arith.index_cast %mul3A_248 : i32 to index
        %get3A_250 = tpu.vector_load %arg6[%get3A_249] {strides = array<i32>} : memref<24576xi32, #tpu.memory_space<vmem>>, vector<16xi32>,
        %gather3A_251 = tpu.vector_load_idx %arg8[%get3A_250] : memref<24576xf32, #tpu.memory_space<vmem>>[vector<16xi32>], vector<16xf32>,
        %swap3A_252 = arith.index_cast %mul3A_248 : i32 to index
        %swap3A_253 = tpu.vector_load %arg10[%swap3A_252] {strides = array<i32>} : memref<24576xf32, #tpu.memory_space<vmem>>, vector<16xf32>,
        tpu.vector_store %arg10[%swap3A_252], %gather3A_251 {strides = array<i32>} : memref<24576xf32, #tpu.memory_space<vmem>>, vector<16xf32>,
        %scan3A_254 = arith.constant 0 : i32
        %scan3A_255 = arith.constant 5 : i32
        %scan3A_256 = arith.addi %scan3A_208, %scan3A_255 : i32
        %mul3A_257 = arith.constant 16 : i32
        %mul3A_258 = arith.muli %scan3A_256, %mul3A_257 : i32
        %get3A_259 = arith.index_cast %mul3A_258 : i32 to index
        %get3A_260 = tpu.vector_load %arg6[%get3A_259] {strides = array<i32>} : memref<24576xi32, #tpu.memory_space<vmem>>, vector<16xi32>,
        %gather3A_261 = tpu.vector_load_idx %arg8[%get3A_260] : memref<24576xf32, #tpu.memory_space<vmem>>[vector<16xi32>], vector<16xf32>,
        %swap3A_262 = arith.index_cast %mul3A_258 : i32 to index
        %swap3A_263 = tpu.vector_load %arg10[%swap3A_262] {strides = array<i32>} : memref<24576xf32, #tpu.memory_space<vmem>>, vector<16xf32>,
        tpu.vector_store %arg10[%swap3A_262], %gather3A_261 {strides = array<i32>} : memref<24576xf32, #tpu.memory_space<vmem>>, vector<16xf32>,
        %scan3A_264 = arith.constant 0 : i32
        %scan3A_265 = arith.constant 6 : i32
        %scan3A_266 = arith.addi %scan3A_208, %scan3A_265 : i32
        %mul3A_267 = arith.constant 16 : i32
        %mul3A_268 = arith.muli %scan3A_266, %mul3A_267 : i32
        %get3A_269 = arith.index_cast %mul3A_268 : i32 to index
        %get3A_270 = tpu.vector_load %arg6[%get3A_269] {strides = array<i32>} : memref<24576xi32, #tpu.memory_space<vmem>>, vector<16xi32>,
        %gather3A_271 = tpu.vector_load_idx %arg8[%get3A_270] : memref<24576xf32, #tpu.memory_space<vmem>>[vector<16xi32>], vector<16xf32>,
        %swap3A_272 = arith.index_cast %mul3A_268 : i32 to index
        %swap3A_273 = tpu.vector_load %arg10[%swap3A_272] {strides = array<i32>} : memref<24576xf32, #tpu.memory_space<vmem>>, vector<16xf32>,
        tpu.vector_store %arg10[%swap3A_272], %gather3A_271 {strides = array<i32>} : memref<24576xf32, #tpu.memory_space<vmem>>, vector<16xf32>,
        %scan3A_274 = arith.constant 0 : i32
        %scan3A_275 = arith.constant 7 : i32
        %scan3A_276 = arith.addi %scan3A_208, %scan3A_275 : i32
        %mul3A_277 = arith.constant 16 : i32
        %mul3A_278 = arith.muli %scan3A_276, %mul3A_277 : i32
        %get3A_279 = arith.index_cast %mul3A_278 : i32 to index
        %get3A_280 = tpu.vector_load %arg6[%get3A_279] {strides = array<i32>} : memref<24576xi32, #tpu.memory_space<vmem>>, vector<16xi32>,
        %gather3A_281 = tpu.vector_load_idx %arg8[%get3A_280] : memref<24576xf32, #tpu.memory_space<vmem>>[vector<16xi32>], vector<16xf32>,
        %swap3A_282 = arith.index_cast %mul3A_278 : i32 to index
        %swap3A_283 = tpu.vector_load %arg10[%swap3A_282] {strides = array<i32>} : memref<24576xf32, #tpu.memory_space<vmem>>, vector<16xf32>,
        tpu.vector_store %arg10[%swap3A_282], %gather3A_281 {strides = array<i32>} : memref<24576xf32, #tpu.memory_space<vmem>>, vector<16xf32>,
        %scan3A_284 = arith.constant 0 : i32
        scf.yield %scan3A_284 : i32
      }
      %scan3A_192 = arith.constant 1536 : i32
      %add3A_193 = arith.constant 1 : i32
      %add3A_194 = arith.addi %mul3A_141, %add3A_193 : i32
      %add3A_195 = arith.addi %mul3A_2, %add3A_194 : i32
      %mul3A_196 = arith.constant 24576 : i32
      %mul3A_197 = arith.muli %add3A_195, %mul3A_196 : i32
      %dma_start3A_198 = tpu.memref_slice %arg4[%mul3A_197] : memref<6291456xf32, #tpu.memory_space<hbm>> -> memref<24576xf32, #tpu.memory_space<hbm>>
      %dma_start3A_199 = tpu.memref_slice %arg4[%mul3A_197] : memref<6291456xf32, #tpu.memory_space<hbm>> -> memref<24576xf32, #tpu.memory_space<hbm>>
      tpu.enqueue_dma source(%arg10 : memref<24576xf32, #tpu.memory_space<vmem>>) target(%dma_start3A_199 : memref<24576xf32, #tpu.memory_space<hbm>>) target_semaphore(%arg14 : memref<!tpu.dma_semaphore, #tpu.memory_space<semaphore_mem>>)
      %add3A_200 = arith.constant 3 : i32
      %add3A_201 = arith.addi %mul3A_141, %add3A_200 : i32
      %add3A_202 = arith.addi %mul3A_2, %add3A_201 : i32
      %mul3A_203 = arith.constant 24576 : i32
      %mul3A_204 = arith.muli %add3A_202, %mul3A_203 : i32
      %dma_start3A_205 = tpu.memref_slice %arg2[%mul3A_204] : memref<6291456xf32, #tpu.memory_space<hbm>> -> memref<24576xf32, #tpu.memory_space<hbm>>
      %dma_start3A_206 = tpu.memref_slice %arg2[%mul3A_204] : memref<6291456xf32, #tpu.memory_space<hbm>> -> memref<24576xf32, #tpu.memory_space<hbm>>
      tpu.enqueue_dma source(%dma_start3A_206 : memref<24576xf32, #tpu.memory_space<hbm>>) target(%arg8 : memref<24576xf32, #tpu.memory_space<vmem>>) target_semaphore(%arg12 : memref<!tpu.dma_semaphore, #tpu.memory_space<semaphore_mem>>)
      %scan3A_207 = arith.constant 0 : i32
      scf.yield %scan3A_207 : i32
    }
    %scan3A_75 = arith.constant 2 : i32
    %add3A_76 = arith.constant 6 : i32
    %add3A_77 = arith.addi %mul3A_2, %add3A_76 : i32
    %mul3A_78 = arith.constant 24576 : i32
    %mul3A_79 = arith.muli %add3A_77, %mul3A_78 : i32
    %dma_wait3A_80 = tpu.memref_slice %arg2[%mul3A_79] : memref<6291456xf32, #tpu.memory_space<hbm>> -> memref<24576xf32, #tpu.memory_space<hbm>>
    %dma_wait3A_81 = tpu.memref_slice %arg2[%mul3A_79] : memref<6291456xf32, #tpu.memory_space<hbm>> -> memref<24576xf32, #tpu.memory_space<hbm>>
    tpu.wait_dma2 semaphore(%arg11 : memref<!tpu.dma_semaphore, #tpu.memory_space<semaphore_mem>>) src(%dma_wait3A_81 : memref<24576xf32, #tpu.memory_space<hbm>>) dst(%arg7 : memref<24576xf32, #tpu.memory_space<vmem>>)
    %add3A_82 = arith.constant 4 : i32
    %add3A_83 = arith.addi %mul3A_2, %add3A_82 : i32
    %mul3A_84 = arith.constant 24576 : i32
    %mul3A_85 = arith.muli %add3A_83, %mul3A_84 : i32
    %dma_wait3A_86 = tpu.memref_slice %arg4[%mul3A_85] : memref<6291456xf32, #tpu.memory_space<hbm>> -> memref<24576xf32, #tpu.memory_space<hbm>>
    %dma_wait3A_87 = tpu.memref_slice %arg4[%mul3A_85] : memref<6291456xf32, #tpu.memory_space<hbm>> -> memref<24576xf32, #tpu.memory_space<hbm>>
    tpu.wait_dma2 semaphore(%arg13 : memref<!tpu.dma_semaphore, #tpu.memory_space<semaphore_mem>>) src(%arg9 : memref<24576xf32, #tpu.memory_space<vmem>>) dst(%dma_wait3A_87 : memref<24576xf32, #tpu.memory_space<hbm>>)
    %scan3A_88 = arith.constant 0 : i32
    %scan3A_89 = arith.constant 0 : i32
    %scan3A_90 = arith.constant 1536 : i32
    %scan3A_91 = arith.addi %scan3A_89, %scan3A_90 : i32
    %scan3A_92 = arith.constant 8 : i32
    %scan3A_93 = scf.for %scan3A_138 = %scan3A_89 to %scan3A_91 step %scan3A_92 iter_args(%scan3A_139 = %scan3A_88) -> (i32)  : i32 {
      %mul3A_140 = arith.constant 16 : i32
      %mul3A_141 = arith.muli %scan3A_138, %mul3A_140 : i32
      %get3A = arith.index_cast %mul3A_141 : i32 to index
      %get3A_142 = tpu.vector_load %arg6[%get3A] {strides = array<i32>} : memref<24576xi32, #tpu.memory_space<vmem>>, vector<16xi32>,
      %gather3A = tpu.vector_load_idx %arg7[%get3A_142] : memref<24576xf32, #tpu.memory_space<vmem>>[vector<16xi32>], vector<16xf32>,
      %swap3A = arith.index_cast %mul3A_141 : i32 to index
      %swap3A_143 = tpu.vector_load %arg9[%swap3A] {strides = array<i32>} : memref<24576xf32, #tpu.memory_space<vmem>>, vector<16xf32>,
      tpu.vector_store %arg9[%swap3A], %gather3A {strides = array<i32>} : memref<24576xf32, #tpu.memory_space<vmem>>, vector<16xf32>,
      %scan3A_144 = arith.constant 0 : i32
      %scan3A_145 = arith.constant 1 : i32
      %scan3A_146 = arith.addi %scan3A_138, %scan3A_145 : i32
      %mul3A_147 = arith.constant 16 : i32
      %mul3A_148 = arith.muli %scan3A_146, %mul3A_147 : i32
      %get3A_149 = arith.index_cast %mul3A_148 : i32 to index
      %get3A_150 = tpu.vector_load %arg6[%get3A_149] {strides = array<i32>} : memref<24576xi32, #tpu.memory_space<vmem>>, vector<16xi32>,
      %gather3A_151 = tpu.vector_load_idx %arg7[%get3A_150] : memref<24576xf32, #tpu.memory_space<vmem>>[vector<16xi32>], vector<16xf32>,
      %swap3A_152 = arith.index_cast %mul3A_148 : i32 to index
      %swap3A_153 = tpu.vector_load %arg9[%swap3A_152] {strides = array<i32>} : memref<24576xf32, #tpu.memory_space<vmem>>, vector<16xf32>,
      tpu.vector_store %arg9[%swap3A_152], %gather3A_151 {strides = array<i32>} : memref<24576xf32, #tpu.memory_space<vmem>>, vector<16xf32>,
      %scan3A_154 = arith.constant 0 : i32
      %scan3A_155 = arith.constant 2 : i32
      %scan3A_156 = arith.addi %scan3A_138, %scan3A_155 : i32
      %mul3A_157 = arith.constant 16 : i32
      %mul3A_158 = arith.muli %scan3A_156, %mul3A_157 : i32
      %get3A_159 = arith.index_cast %mul3A_158 : i32 to index
      %get3A_160 = tpu.vector_load %arg6[%get3A_159] {strides = array<i32>} : memref<24576xi32, #tpu.memory_space<vmem>>, vector<16xi32>,
      %gather3A_161 = tpu.vector_load_idx %arg7[%get3A_160] : memref<24576xf32, #tpu.memory_space<vmem>>[vector<16xi32>], vector<16xf32>,
      %swap3A_162 = arith.index_cast %mul3A_158 : i32 to index
      %swap3A_163 = tpu.vector_load %arg9[%swap3A_162] {strides = array<i32>} : memref<24576xf32, #tpu.memory_space<vmem>>, vector<16xf32>,
      tpu.vector_store %arg9[%swap3A_162], %gather3A_161 {strides = array<i32>} : memref<24576xf32, #tpu.memory_space<vmem>>, vector<16xf32>,
      %scan3A_164 = arith.constant 0 : i32
      %scan3A_165 = arith.constant 3 : i32
      %scan3A_166 = arith.addi %scan3A_138, %scan3A_165 : i32
      %mul3A_167 = arith.constant 16 : i32
      %mul3A_168 = arith.muli %scan3A_166, %mul3A_167 : i32
      %get3A_169 = arith.index_cast %mul3A_168 : i32 to index
      %get3A_170 = tpu.vector_load %arg6[%get3A_169] {strides = array<i32>} : memref<24576xi32, #tpu.memory_space<vmem>>, vector<16xi32>,
      %gather3A_171 = tpu.vector_load_idx %arg7[%get3A_170] : memref<24576xf32, #tpu.memory_space<vmem>>[vector<16xi32>], vector<16xf32>,
      %swap3A_172 = arith.index_cast %mul3A_168 : i32 to index
      %swap3A_173 = tpu.vector_load %arg9[%swap3A_172] {strides = array<i32>} : memref<24576xf32, #tpu.memory_space<vmem>>, vector<16xf32>,
      tpu.vector_store %arg9[%swap3A_172], %gather3A_171 {strides = array<i32>} : memref<24576xf32, #tpu.memory_space<vmem>>, vector<16xf32>,
      %scan3A_174 = arith.constant 0 : i32
      %scan3A_175 = arith.constant 4 : i32
      %scan3A_176 = arith.addi %scan3A_138, %scan3A_175 : i32
      %mul3A_177 = arith.constant 16 : i32
      %mul3A_178 = arith.muli %scan3A_176, %mul3A_177 : i32
      %get3A_179 = arith.index_cast %mul3A_178 : i32 to index
      %get3A_180 = tpu.vector_load %arg6[%get3A_179] {strides = array<i32>} : memref<24576xi32, #tpu.memory_space<vmem>>, vector<16xi32>,
      %gather3A_181 = tpu.vector_load_idx %arg7[%get3A_180] : memref<24576xf32, #tpu.memory_space<vmem>>[vector<16xi32>], vector<16xf32>,
      %swap3A_182 = arith.index_cast %mul3A_178 : i32 to index
      %swap3A_183 = tpu.vector_load %arg9[%swap3A_182] {strides = array<i32>} : memref<24576xf32, #tpu.memory_space<vmem>>, vector<16xf32>,
      tpu.vector_store %arg9[%swap3A_182], %gather3A_181 {strides = array<i32>} : memref<24576xf32, #tpu.memory_space<vmem>>, vector<16xf32>,
      %scan3A_184 = arith.constant 0 : i32
      %scan3A_185 = arith.constant 5 : i32
      %scan3A_186 = arith.addi %scan3A_138, %scan3A_185 : i32
      %mul3A_187 = arith.constant 16 : i32
      %mul3A_188 = arith.muli %scan3A_186, %mul3A_187 : i32
      %get3A_189 = arith.index_cast %mul3A_188 : i32 to index
      %get3A_190 = tpu.vector_load %arg6[%get3A_189] {strides = array<i32>} : memref<24576xi32, #tpu.memory_space<vmem>>, vector<16xi32>,
      %gather3A_191 = tpu.vector_load_idx %arg7[%get3A_190] : memref<24576xf32, #tpu.memory_space<vmem>>[vector<16xi32>], vector<16xf32>,
      %swap3A_192 = arith.index_cast %mul3A_188 : i32 to index
      %swap3A_193 = tpu.vector_load %arg9[%swap3A_192] {strides = array<i32>} : memref<24576xf32, #tpu.memory_space<vmem>>, vector<16xf32>,
      tpu.vector_store %arg9[%swap3A_192], %gather3A_191 {strides = array<i32>} : memref<24576xf32, #tpu.memory_space<vmem>>, vector<16xf32>,
      %scan3A_194 = arith.constant 0 : i32
      %scan3A_195 = arith.constant 6 : i32
      %scan3A_196 = arith.addi %scan3A_138, %scan3A_195 : i32
      %mul3A_197 = arith.constant 16 : i32
      %mul3A_198 = arith.muli %scan3A_196, %mul3A_197 : i32
      %get3A_199 = arith.index_cast %mul3A_198 : i32 to index
      %get3A_200 = tpu.vector_load %arg6[%get3A_199] {strides = array<i32>} : memref<24576xi32, #tpu.memory_space<vmem>>, vector<16xi32>,
      %gather3A_201 = tpu.vector_load_idx %arg7[%get3A_200] : memref<24576xf32, #tpu.memory_space<vmem>>[vector<16xi32>], vector<16xf32>,
      %swap3A_202 = arith.index_cast %mul3A_198 : i32 to index
      %swap3A_203 = tpu.vector_load %arg9[%swap3A_202] {strides = array<i32>} : memref<24576xf32, #tpu.memory_space<vmem>>, vector<16xf32>,
      tpu.vector_store %arg9[%swap3A_202], %gather3A_201 {strides = array<i32>} : memref<24576xf32, #tpu.memory_space<vmem>>, vector<16xf32>,
      %scan3A_204 = arith.constant 0 : i32
      %scan3A_205 = arith.constant 7 : i32
      %scan3A_206 = arith.addi %scan3A_138, %scan3A_205 : i32
      %mul3A_207 = arith.constant 16 : i32
      %mul3A_208 = arith.muli %scan3A_206, %mul3A_207 : i32
      %get3A_209 = arith.index_cast %mul3A_208 : i32 to index
      %get3A_210 = tpu.vector_load %arg6[%get3A_209] {strides = array<i32>} : memref<24576xi32, #tpu.memory_space<vmem>>, vector<16xi32>,
      %gather3A_211 = tpu.vector_load_idx %arg7[%get3A_210] : memref<24576xf32, #tpu.memory_space<vmem>>[vector<16xi32>], vector<16xf32>,
      %swap3A_212 = arith.index_cast %mul3A_208 : i32 to index
      %swap3A_213 = tpu.vector_load %arg9[%swap3A_212] {strides = array<i32>} : memref<24576xf32, #tpu.memory_space<vmem>>, vector<16xf32>,
      tpu.vector_store %arg9[%swap3A_212], %gather3A_211 {strides = array<i32>} : memref<24576xf32, #tpu.memory_space<vmem>>, vector<16xf32>,
      %scan3A_214 = arith.constant 0 : i32
      scf.yield %scan3A_214 : i32
    }
    %scan3A_94 = arith.constant 1536 : i32
    %add3A_95 = arith.constant 6 : i32
    %add3A_96 = arith.addi %mul3A_2, %add3A_95 : i32
    %mul3A_97 = arith.constant 24576 : i32
    %mul3A_98 = arith.muli %add3A_96, %mul3A_97 : i32
    %dma_start3A_99 = tpu.memref_slice %arg4[%mul3A_98] : memref<6291456xf32, #tpu.memory_space<hbm>> -> memref<24576xf32, #tpu.memory_space<hbm>>
    %dma_start3A_100 = tpu.memref_slice %arg4[%mul3A_98] : memref<6291456xf32, #tpu.memory_space<hbm>> -> memref<24576xf32, #tpu.memory_space<hbm>>
    tpu.enqueue_dma source(%arg9 : memref<24576xf32, #tpu.memory_space<vmem>>) target(%dma_start3A_100 : memref<24576xf32, #tpu.memory_space<hbm>>) target_semaphore(%arg13 : memref<!tpu.dma_semaphore, #tpu.memory_space<semaphore_mem>>)
    %add3A_101 = arith.constant 7 : i32
    %add3A_102 = arith.addi %mul3A_2, %add3A_101 : i32
    %mul3A_103 = arith.constant 24576 : i32
    %mul3A_104 = arith.muli %add3A_102, %mul3A_103 : i32
    %dma_wait3A_105 = tpu.memref_slice %arg2[%mul3A_104] : memref<6291456xf32, #tpu.memory_space<hbm>> -> memref<24576xf32, #tpu.memory_space<hbm>>
    %dma_wait3A_106 = tpu.memref_slice %arg2[%mul3A_104] : memref<6291456xf32, #tpu.memory_space<hbm>> -> memref<24576xf32, #tpu.memory_space<hbm>>
    tpu.wait_dma2 semaphore(%arg12 : memref<!tpu.dma_semaphore, #tpu.memory_space<semaphore_mem>>) src(%dma_wait3A_106 : memref<24576xf32, #tpu.memory_space<hbm>>) dst(%arg8 : memref<24576xf32, #tpu.memory_space<vmem>>)
    %add3A_107 = arith.constant 5 : i32
    %add3A_108 = arith.addi %mul3A_2, %add3A_107 : i32
    %mul3A_109 = arith.constant 24576 : i32
    %mul3A_110 = arith.muli %add3A_108, %mul3A_109 : i32
    %dma_wait3A_111 = tpu.memref_slice %arg4[%mul3A_110] : memref<6291456xf32, #tpu.memory_space<hbm>> -> memref<24576xf32, #tpu.memory_space<hbm>>
    %dma_wait3A_112 = tpu.memref_slice %arg4[%mul3A_110] : memref<6291456xf32, #tpu.memory_space<hbm>> -> memref<24576xf32, #tpu.memory_space<hbm>>
    tpu.wait_dma2 semaphore(%arg14 : memref<!tpu.dma_semaphore, #tpu.memory_space<semaphore_mem>>) src(%arg10 : memref<24576xf32, #tpu.memory_space<vmem>>) dst(%dma_wait3A_112 : memref<24576xf32, #tpu.memory_space<hbm>>)
    %scan3A_113 = arith.constant 0 : i32
    %scan3A_114 = arith.constant 0 : i32
    %scan3A_115 = arith.constant 1536 : i32
    %scan3A_116 = arith.addi %scan3A_114, %scan3A_115 : i32
    %scan3A_117 = arith.constant 8 : i32
    %scan3A_118 = scf.for %scan3A_138 = %scan3A_114 to %scan3A_116 step %scan3A_117 iter_args(%scan3A_139 = %scan3A_113) -> (i32)  : i32 {
      %mul3A_140 = arith.constant 16 : i32
      %mul3A_141 = arith.muli %scan3A_138, %mul3A_140 : i32
      %get3A = arith.index_cast %mul3A_141 : i32 to index
      %get3A_142 = tpu.vector_load %arg6[%get3A] {strides = array<i32>} : memref<24576xi32, #tpu.memory_space<vmem>>, vector<16xi32>,
      %gather3A = tpu.vector_load_idx %arg8[%get3A_142] : memref<24576xf32, #tpu.memory_space<vmem>>[vector<16xi32>], vector<16xf32>,
      %swap3A = arith.index_cast %mul3A_141 : i32 to index
      %swap3A_143 = tpu.vector_load %arg10[%swap3A] {strides = array<i32>} : memref<24576xf32, #tpu.memory_space<vmem>>, vector<16xf32>,
      tpu.vector_store %arg10[%swap3A], %gather3A {strides = array<i32>} : memref<24576xf32, #tpu.memory_space<vmem>>, vector<16xf32>,
      %scan3A_144 = arith.constant 0 : i32
      %scan3A_145 = arith.constant 1 : i32
      %scan3A_146 = arith.addi %scan3A_138, %scan3A_145 : i32
      %mul3A_147 = arith.constant 16 : i32
      %mul3A_148 = arith.muli %scan3A_146, %mul3A_147 : i32
      %get3A_149 = arith.index_cast %mul3A_148 : i32 to index
      %get3A_150 = tpu.vector_load %arg6[%get3A_149] {strides = array<i32>} : memref<24576xi32, #tpu.memory_space<vmem>>, vector<16xi32>,
      %gather3A_151 = tpu.vector_load_idx %arg8[%get3A_150] : memref<24576xf32, #tpu.memory_space<vmem>>[vector<16xi32>], vector<16xf32>,
      %swap3A_152 = arith.index_cast %mul3A_148 : i32 to index
      %swap3A_153 = tpu.vector_load %arg10[%swap3A_152] {strides = array<i32>} : memref<24576xf32, #tpu.memory_space<vmem>>, vector<16xf32>,
      tpu.vector_store %arg10[%swap3A_152], %gather3A_151 {strides = array<i32>} : memref<24576xf32, #tpu.memory_space<vmem>>, vector<16xf32>,
      %scan3A_154 = arith.constant 0 : i32
      %scan3A_155 = arith.constant 2 : i32
      %scan3A_156 = arith.addi %scan3A_138, %scan3A_155 : i32
      %mul3A_157 = arith.constant 16 : i32
      %mul3A_158 = arith.muli %scan3A_156, %mul3A_157 : i32
      %get3A_159 = arith.index_cast %mul3A_158 : i32 to index
      %get3A_160 = tpu.vector_load %arg6[%get3A_159] {strides = array<i32>} : memref<24576xi32, #tpu.memory_space<vmem>>, vector<16xi32>,
      %gather3A_161 = tpu.vector_load_idx %arg8[%get3A_160] : memref<24576xf32, #tpu.memory_space<vmem>>[vector<16xi32>], vector<16xf32>,
      %swap3A_162 = arith.index_cast %mul3A_158 : i32 to index
      %swap3A_163 = tpu.vector_load %arg10[%swap3A_162] {strides = array<i32>} : memref<24576xf32, #tpu.memory_space<vmem>>, vector<16xf32>,
      tpu.vector_store %arg10[%swap3A_162], %gather3A_161 {strides = array<i32>} : memref<24576xf32, #tpu.memory_space<vmem>>, vector<16xf32>,
      %scan3A_164 = arith.constant 0 : i32
      %scan3A_165 = arith.constant 3 : i32
      %scan3A_166 = arith.addi %scan3A_138, %scan3A_165 : i32
      %mul3A_167 = arith.constant 16 : i32
      %mul3A_168 = arith.muli %scan3A_166, %mul3A_167 : i32
      %get3A_169 = arith.index_cast %mul3A_168 : i32 to index
      %get3A_170 = tpu.vector_load %arg6[%get3A_169] {strides = array<i32>} : memref<24576xi32, #tpu.memory_space<vmem>>, vector<16xi32>,
      %gather3A_171 = tpu.vector_load_idx %arg8[%get3A_170] : memref<24576xf32, #tpu.memory_space<vmem>>[vector<16xi32>], vector<16xf32>,
      %swap3A_172 = arith.index_cast %mul3A_168 : i32 to index
      %swap3A_173 = tpu.vector_load %arg10[%swap3A_172] {strides = array<i32>} : memref<24576xf32, #tpu.memory_space<vmem>>, vector<16xf32>,
      tpu.vector_store %arg10[%swap3A_172], %gather3A_171 {strides = array<i32>} : memref<24576xf32, #tpu.memory_space<vmem>>, vector<16xf32>,
      %scan3A_174 = arith.constant 0 : i32
      %scan3A_175 = arith.constant 4 : i32
      %scan3A_176 = arith.addi %scan3A_138, %scan3A_175 : i32
      %mul3A_177 = arith.constant 16 : i32
      %mul3A_178 = arith.muli %scan3A_176, %mul3A_177 : i32
      %get3A_179 = arith.index_cast %mul3A_178 : i32 to index
      %get3A_180 = tpu.vector_load %arg6[%get3A_179] {strides = array<i32>} : memref<24576xi32, #tpu.memory_space<vmem>>, vector<16xi32>,
      %gather3A_181 = tpu.vector_load_idx %arg8[%get3A_180] : memref<24576xf32, #tpu.memory_space<vmem>>[vector<16xi32>], vector<16xf32>,
      %swap3A_182 = arith.index_cast %mul3A_178 : i32 to index
      %swap3A_183 = tpu.vector_load %arg10[%swap3A_182] {strides = array<i32>} : memref<24576xf32, #tpu.memory_space<vmem>>, vector<16xf32>,
      tpu.vector_store %arg10[%swap3A_182], %gather3A_181 {strides = array<i32>} : memref<24576xf32, #tpu.memory_space<vmem>>, vector<16xf32>,
      %scan3A_184 = arith.constant 0 : i32
      %scan3A_185 = arith.constant 5 : i32
      %scan3A_186 = arith.addi %scan3A_138, %scan3A_185 : i32
      %mul3A_187 = arith.constant 16 : i32
      %mul3A_188 = arith.muli %scan3A_186, %mul3A_187 : i32
      %get3A_189 = arith.index_cast %mul3A_188 : i32 to index
      %get3A_190 = tpu.vector_load %arg6[%get3A_189] {strides = array<i32>} : memref<24576xi32, #tpu.memory_space<vmem>>, vector<16xi32>,
      %gather3A_191 = tpu.vector_load_idx %arg8[%get3A_190] : memref<24576xf32, #tpu.memory_space<vmem>>[vector<16xi32>], vector<16xf32>,
      %swap3A_192 = arith.index_cast %mul3A_188 : i32 to index
      %swap3A_193 = tpu.vector_load %arg10[%swap3A_192] {strides = array<i32>} : memref<24576xf32, #tpu.memory_space<vmem>>, vector<16xf32>,
      tpu.vector_store %arg10[%swap3A_192], %gather3A_191 {strides = array<i32>} : memref<24576xf32, #tpu.memory_space<vmem>>, vector<16xf32>,
      %scan3A_194 = arith.constant 0 : i32
      %scan3A_195 = arith.constant 6 : i32
      %scan3A_196 = arith.addi %scan3A_138, %scan3A_195 : i32
      %mul3A_197 = arith.constant 16 : i32
      %mul3A_198 = arith.muli %scan3A_196, %mul3A_197 : i32
      %get3A_199 = arith.index_cast %mul3A_198 : i32 to index
      %get3A_200 = tpu.vector_load %arg6[%get3A_199] {strides = array<i32>} : memref<24576xi32, #tpu.memory_space<vmem>>, vector<16xi32>,
      %gather3A_201 = tpu.vector_load_idx %arg8[%get3A_200] : memref<24576xf32, #tpu.memory_space<vmem>>[vector<16xi32>], vector<16xf32>,
      %swap3A_202 = arith.index_cast %mul3A_198 : i32 to index
      %swap3A_203 = tpu.vector_load %arg10[%swap3A_202] {strides = array<i32>} : memref<24576xf32, #tpu.memory_space<vmem>>, vector<16xf32>,
      tpu.vector_store %arg10[%swap3A_202], %gather3A_201 {strides = array<i32>} : memref<24576xf32, #tpu.memory_space<vmem>>, vector<16xf32>,
      %scan3A_204 = arith.constant 0 : i32
      %scan3A_205 = arith.constant 7 : i32
      %scan3A_206 = arith.addi %scan3A_138, %scan3A_205 : i32
      %mul3A_207 = arith.constant 16 : i32
      %mul3A_208 = arith.muli %scan3A_206, %mul3A_207 : i32
      %get3A_209 = arith.index_cast %mul3A_208 : i32 to index
      %get3A_210 = tpu.vector_load %arg6[%get3A_209] {strides = array<i32>} : memref<24576xi32, #tpu.memory_space<vmem>>, vector<16xi32>,
      %gather3A_211 = tpu.vector_load_idx %arg8[%get3A_210] : memref<24576xf32, #tpu.memory_space<vmem>>[vector<16xi32>], vector<16xf32>,
      %swap3A_212 = arith.index_cast %mul3A_208 : i32 to index
      %swap3A_213 = tpu.vector_load %arg10[%swap3A_212] {strides = array<i32>} : memref<24576xf32, #tpu.memory_space<vmem>>, vector<16xf32>,
      tpu.vector_store %arg10[%swap3A_212], %gather3A_211 {strides = array<i32>} : memref<24576xf32, #tpu.memory_space<vmem>>, vector<16xf32>,
      %scan3A_214 = arith.constant 0 : i32
      scf.yield %scan3A_214 : i32
    }
    %scan3A_119 = arith.constant 1536 : i32
    %add3A_120 = arith.constant 7 : i32
    %add3A_121 = arith.addi %mul3A_2, %add3A_120 : i32
    %mul3A_122 = arith.constant 24576 : i32
    %mul3A_123 = arith.muli %add3A_121, %mul3A_122 : i32
    %dma_start3A_124 = tpu.memref_slice %arg4[%mul3A_123] : memref<6291456xf32, #tpu.memory_space<hbm>> -> memref<24576xf32, #tpu.memory_space<hbm>>
    %dma_start3A_125 = tpu.memref_slice %arg4[%mul3A_123] : memref<6291456xf32, #tpu.memory_space<hbm>> -> memref<24576xf32, #tpu.memory_space<hbm>>
    tpu.enqueue_dma source(%arg10 : memref<24576xf32, #tpu.memory_space<vmem>>) target(%dma_start3A_125 : memref<24576xf32, #tpu.memory_space<hbm>>) target_semaphore(%arg14 : memref<!tpu.dma_semaphore, #tpu.memory_space<semaphore_mem>>)
    %add3A_126 = arith.constant 6 : i32
    %add3A_127 = arith.addi %mul3A_2, %add3A_126 : i32
    %mul3A_128 = arith.constant 24576 : i32
    %mul3A_129 = arith.muli %add3A_127, %mul3A_128 : i32
    %dma_wait3A_130 = tpu.memref_slice %arg4[%mul3A_129] : memref<6291456xf32, #tpu.memory_space<hbm>> -> memref<24576xf32, #tpu.memory_space<hbm>>
    %dma_wait3A_131 = tpu.memref_slice %arg4[%mul3A_129] : memref<6291456xf32, #tpu.memory_space<hbm>> -> memref<24576xf32, #tpu.memory_space<hbm>>
    tpu.wait_dma2 semaphore(%arg13 : memref<!tpu.dma_semaphore, #tpu.memory_space<semaphore_mem>>) src(%arg9 : memref<24576xf32, #tpu.memory_space<vmem>>) dst(%dma_wait3A_131 : memref<24576xf32, #tpu.memory_space<hbm>>)
    %add3A_132 = arith.constant 7 : i32
    %add3A_133 = arith.addi %mul3A_2, %add3A_132 : i32
    %mul3A_134 = arith.constant 24576 : i32
    %mul3A_135 = arith.muli %add3A_133, %mul3A_134 : i32
    %dma_wait3A_136 = tpu.memref_slice %arg4[%mul3A_135] : memref<6291456xf32, #tpu.memory_space<hbm>> -> memref<24576xf32, #tpu.memory_space<hbm>>
    %dma_wait3A_137 = tpu.memref_slice %arg4[%mul3A_135] : memref<6291456xf32, #tpu.memory_space<hbm>> -> memref<24576xf32, #tpu.memory_space<hbm>>
    tpu.wait_dma2 semaphore(%arg14 : memref<!tpu.dma_semaphore, #tpu.memory_space<semaphore_mem>>) src(%arg10 : memref<24576xf32, #tpu.memory_space<vmem>>) dst(%dma_wait3A_137 : memref<24576xf32, #tpu.memory_space<hbm>>)
    return
  }
}

module attributes {stable_mosaic.version = 14 : i64} {
  func.func @_onehot_body(%arg0: memref<1x768xi32, #tpu.memory_space<vmem>>, %arg1: memref<768x768xf32, #tpu.memory_space<vmem>>) attributes {dimension_semantics = [], scalar_prefetch = 0 : i64, scratch_operands = 0 : i64, tpu.core_type = #tpu.core_type<tc>} {
    %iota3A = tpu.iota {dimensions = array<i32: 0>} : vector<768x768xi32>
    %get3A = arith.constant 0 : index
    %get3A_0 = arith.constant 0 : index
    %get3A_1 = vector.load %arg0[%get3A, %get3A_0] : memref<1x768xi32, #tpu.memory_space<vmem>>, vector<1x768xi32>
    %eq3A = vector.broadcast %get3A_1 : vector<1x768xi32> to vector<768x768xi32>
    %eq3A_2 = arith.cmpi eq, %iota3A, %eq3A : vector<768x768xi32>
    %convert_element_type3A = arith.extui %eq3A_2 : vector<768x768xi1> to vector<768x768xi32>
    %convert_element_type3A_3 = arith.sitofp %convert_element_type3A : vector<768x768xi32> to vector<768x768xf32>
    %swap3A = arith.constant 0 : index
    %swap3A_4 = arith.constant 0 : index
    %swap3A_5 = vector.load %arg1[%swap3A, %swap3A_4] : memref<768x768xf32, #tpu.memory_space<vmem>>, vector<768x768xf32>
    tpu.vector_store %arg1[%swap3A, %swap3A_4], %convert_element_type3A_3 {strides = array<i32>} : memref<768x768xf32, #tpu.memory_space<vmem>>, vector<768x768xf32>,
    return
  }
}

module attributes {stable_mosaic.version = 14 : i64} {
  func.func @_mm_body(%arg0: i32, %arg1: memref<2048x768xf32, #tpu.memory_space<vmem>>, %arg2: memref<768x768xf32, #tpu.memory_space<vmem>>, %arg3: memref<2048x768xf32, #tpu.memory_space<vmem>>) attributes {dimension_semantics = [#tpu.dimension_semantics<arbitrary>], iteration_bounds = array<i64: 28>, scalar_prefetch = 0 : i64, scratch_operands = 0 : i64, tpu.core_type = #tpu.core_type<tc>, window_params = [{transform_indices = @transform_0, window_bounds = array<i64: 2048, 768>}, {pipeline_mode = #tpu.pipeline_mode<synchronous>, transform_indices = @transform_1, window_bounds = array<i64: 768, 768>}, {transform_indices = @transform_2, window_bounds = array<i64: 2048, 768>}]} {
    %get3A = arith.constant 0 : index
    %get3A_0 = arith.constant 0 : index
    %get3A_1 = vector.load %arg1[%get3A, %get3A_0] : memref<2048x768xf32, #tpu.memory_space<vmem>>, vector<2048x768xf32>
    %get3A_2 = arith.constant 0 : index
    %get3A_3 = arith.constant 0 : index
    %get3A_4 = vector.load %arg2[%get3A_2, %get3A_3] : memref<768x768xf32, #tpu.memory_space<vmem>>, vector<768x768xf32>
    %dot_general3A = arith.constant dense<0.000000e+00> : vector<2048x768xf32>
    %dot_general3A_5 = tpu.matmul %get3A_1, %get3A_4, %dot_general3A {dimension_numbers = #tpu.dot_dimension_numbers<[1], [0], [0], [1], [0, 0, 1, 1], [], []>, transpose_lhs_hint = false} : vector<2048x768xf32>, vector<768x768xf32>, vector<2048x768xf32> -> vector<2048x768xf32>
    %swap3A = arith.constant 0 : index
    %swap3A_6 = arith.constant 0 : index
    %swap3A_7 = vector.load %arg3[%swap3A, %swap3A_6] : memref<2048x768xf32, #tpu.memory_space<vmem>>, vector<2048x768xf32>
    tpu.vector_store %arg3[%swap3A, %swap3A_6], %dot_general3A_5 {strides = array<i32>} : memref<2048x768xf32, #tpu.memory_space<vmem>>, vector<2048x768xf32>,
    return
  }
  func.func @transform_0(%arg0: i32) -> (i32, i32) {
    %add3A = arith.constant 4 : i32
    %add3A_0 = arith.addi %arg0, %add3A : i32
    %c0_i32 = arith.constant 0 : i32
    %c0_i32_1 = arith.constant 0 : i32
    return %add3A_0, %c0_i32 : i32, i32
  }
  func.func @transform_1(%arg0: i32) -> (i32, i32) {
    %c0_i32 = arith.constant 0 : i32
    %c0_i32_0 = arith.constant 0 : i32
    %c0_i32_1 = arith.constant 0 : i32
    return %c0_i32, %c0_i32_0 : i32, i32
  }
  func.func @transform_2(%arg0: i32) -> (i32, i32) {
    %c0_i32 = arith.constant 0 : i32
    %c0_i32_0 = arith.constant 0 : i32
    return %arg0, %c0_i32 : i32, i32
  }
}

</mosaic_0001>

<sc_bundles>
// kernel: kernel.5.cloned.1.call-start
scs
__scs_entry_jumppad:
0x0: {  	(pc) =	sbr.rel $0x88, $3  }
0x1: {  	(tag) =	ssettag $0x0;
	lr =	simm.s32 $0x1  }
0x2: {  	[smem:$0x3F9F] =	sst lr;
	_ =	strace $0xD0000000  }
0x3: {  	_ = 	snop  }
0x4: {  	_ = 	snop  }
0x5: {  	_ = 	snop  }
0x6: {  	_ = 	snop  }
0x7: {  	_ = 	snop  }
__scs_overlays_trampoline_lowered:
0x8: {  	[smem:$0x3FAE] =	sst s0  }
0x9: {  	[smem:$0x3FAF] =	sst s1  }
0xa: {  	[smem:$0x3FB0] =	sst s2  }
0xb: {  	[smem:$0x3FB1] =	sst s3  }
0xc: {  	[smem:$0x3FB2] =	sst s4  }
0xd: {  	[smem:$0x3FB3] =	sst s5  }
0xe: {  	[smem:$0x3FB4] =	sst s6  }
0xf: {  	[smem:$0x3FB5] =	sst s7  }
0x10: {  	[smem:$0x3FB6] =	sst s8  }
0x11: {  	[smem:$0x3FB7] =	sst s9;
	s0 =	simm.s32 @!p0 $0x0  }
0x12: {  	s1 =	sld [smem:$0x3F9D];
	s0 =	simm.s32 @p0 $0x1  }
0x13: {  	[smem:$0x3FB8] =	sst s0;
	s0 =	simm.s32 @!p1 $0x0  }
0x14: {  	s2 =	sld [smem:$0x3F9C];
	s0 =	simm.s32 @p1 $0x1  }
0x15: {  	[smem:$0x3FB9] =	sst s0;
	s0 =	simm.s32 @!p2 $0x0  }
0x16: {  	s3 =	sld [smem:$0x3FDB];
	s0 =	simm.s32 @p2 $0x1  }
0x17: {  	s4 =	simm.s32 $0x1BF5;
	[smem:$0x3FBB] =	sst s0  }
0x18: {  	s0 =	sld [smem:$0x3F9E];
	_ =	swait.ge [sflag:s4], $0x0  }
0x19: {  	s7 =	sld [smem:$0x3F9F]  }
0x1a: {  	s8 =	sadd.s32 $0xFFFFE003, lr  }
0x1b: {  	s9 =	sadd.s32 $0xFFFFFEF7, lr;
	s5 =	simm.s32 $0xFFFFFFFF;
	p2 =	slt.u32 s8, $0xFFFFF086  }
0x1c: {  	p1 =	slt.u32 s9, $0xF7A;
	s5 =	simm.s32 @!p2 $0x0  }
0x1d: {  	s5 =	simm.s32 @p1 $0x1;
	p0 =	seq.s32 s7, s2  }
0x1e: {  	s7 =	smul.u32 @!p0 $0xF7A, s2;
	p2 =	seq.s32 @!p0 s5, $0x0  }
0x1f: {  	s9 =	smul.u32 $0xF7A, s1;
	s8 =	simm.s32 @!p0 $0x1BF5;
	p2 =	por !p2, p0  }
0x20: {  	[sflag:s8] =	ssyncset.s32 @!p0 $0xFFFFF086;
	s6 =	sadd.s32 @!p0 s3, s7;
	s7 =	simm.s32 @!p0 $0x108  }
0x21: {  	s3 =	sadd.s32 s3, s9;
	s6 =	sadd.s32 @!p0 $0x88, s6;
	s7 =	simm.s32 @p2 $0x1082  }
0x22: {  	[simem:s7], [sflag:s8] =	dma.local @!p0 [hbm:s6], $0xF7A  }
0x23: {  	s9 =	sor.u32 $0xD0000000, s2;
	s6 =	simm.s32 $0x108;
	_ =	swait.ge @!p0 [sflag:s8], $0x0  }
0x24: {  	s3 =	sadd.s32 $0x88, s3;
	s6 =	simm.s32 @!p1 $0x1082;
	[sflag:s4] =	ssyncset.s32 $0xFFFFF086  }
0x25: {  	[simem:s6], [sflag:s4] =	dma.local [hbm:s3], $0xF7A  }
0x26: {  	[smem:$0x3F9F] =	sst s1;
	(tag) =	ssettag s2;
	_ =	strace s9  }
0x27: {  	s1 =	sld [smem:$0x3FAF]  }
0x28: {  	s2 =	sld [smem:$0x3FB0]  }
0x29: {  	s4 =	sld [smem:$0x3FB2]  }
0x2a: {  	p0 =	seq.s32 s5, $0x0;
	s5 =	sld [smem:$0x3FB3]  }
0x2b: {  	s6 =	sld [smem:$0x3FB4]  }
0x2c: {  	s7 =	sld [smem:$0x3FB5]  }
0x2d: {  	s3 =	simm.s32 $0x108;
	s8 =	sld [smem:$0x3FB6]  }
0x2e: {  	s3 =	simm.s32 @!p0 $0x1082;
	s9 =	sld [smem:$0x3FB7]  }
0x2f: {  	lr =	sadd.s32 s0, s3;
	s0 =	sld [smem:$0x3FAE]  }
0x30: {  	s3 =	sld [smem:$0x3FB1]  }
0x31: {  	[smem:$0x3FBA] =	sst s10  }
0x32: {  	s10 =	sld [smem:$0x3FB8];
	_ =	sdelay $0x3  }
0x33: {  	p0 =	seq.s32 s10, $0x1;
	s10 =	sld [smem:$0x3FBA];
	_ =	sdelay $0x3  }
0x34: {  	[smem:$0x3FBA] =	sst s10  }
0x35: {  	s10 =	sld [smem:$0x3FB9];
	_ =	sdelay $0x3  }
0x36: {  	p1 =	seq.s32 s10, $0x1;
	s10 =	sld [smem:$0x3FBA];
	_ =	sdelay $0x3  }
0x37: {  	[smem:$0x3FBA] =	sst s10  }
0x38: {  	s10 =	sld [smem:$0x3FBB]  }
0x39: {  	_ = 	snop;
	(pc) =	sbr.ind lr, $3  }
0x3a: {  	_ = 	snop  }
0x3b: {  	_ = 	snop  }
0x3c: {  	p2 =	seq.s32 s10, $0x1;
	s10 =	sld [smem:$0x3FBA]  }
0x3d: {  	_ =	shalt  }
0x3e: {  	_ =	shalt  }
0x3f: {  	_ =	shalt  }
0x40: {  	_ =	shalt  }
0x41: {  	_ =	shalt  }
0x42: {  	_ =	shalt  }
0x43: {  	_ =	shalt  }
0x44: {  	_ =	shalt  }
0x45: {  	_ =	shalt  }
0x46: {  	_ =	shalt  }
0x47: {  	_ =	shalt  }
0x48: {  	_ =	shalt  }
0x49: {  	_ =	shalt  }
0x4a: {  	_ =	shalt  }
0x4b: {  	_ =	shalt  }
0x4c: {  	_ =	shalt  }
0x4d: {  	_ =	shalt  }
0x4e: {  	_ =	shalt  }
0x4f: {  	_ =	shalt  }
0x50: {  	_ =	shalt  }
0x51: {  	_ =	shalt  }
0x52: {  	_ =	shalt  }
0x53: {  	_ =	shalt  }
0x54: {  	_ =	shalt  }
0x55: {  	_ =	shalt  }
0x56: {  	_ =	shalt  }
0x57: {  	_ =	shalt  }
0x58: {  	_ =	shalt  }
0x59: {  	_ =	shalt  }
0x5a: {  	_ =	shalt  }
0x5b: {  	_ =	shalt  }
0x5c: {  	_ =	shalt  }
0x5d: {  	_ =	shalt  }
0x5e: {  	_ =	shalt  }
0x5f: {  	_ =	shalt  }
0x60: {  	_ =	shalt  }
0x61: {  	_ =	shalt  }
0x62: {  	_ =	shalt  }
0x63: {  	_ =	shalt  }
0x64: {  	_ =	shalt  }
0x65: {  	_ =	shalt  }
0x66: {  	_ =	shalt  }
0x67: {  	_ =	shalt  }
0x68: {  	_ =	shalt  }
0x69: {  	_ =	shalt  }
0x6a: {  	_ =	shalt  }
0x6b: {  	_ =	shalt  }
0x6c: {  	_ =	shalt  }
0x6d: {  	_ =	shalt  }
0x6e: {  	_ =	shalt  }
0x6f: {  	_ =	shalt  }
0x70: {  	_ =	shalt  }
0x71: {  	_ =	shalt  }
0x72: {  	_ =	shalt  }
0x73: {  	_ =	shalt  }
0x74: {  	_ =	shalt  }
0x75: {  	_ =	shalt  }
0x76: {  	_ =	shalt  }
0x77: {  	_ =	shalt  }
0x78: {  	_ =	shalt  }
0x79: {  	_ =	shalt  }
0x7a: {  	_ =	shalt  }
0x7b: {  	_ =	shalt  }
0x7c: {  	_ =	shalt  }
0x7d: {  	_ =	shalt  }
0x7e: {  	_ =	shalt  }
0x7f: {  	_ =	shalt  }
0x80: {  	_ =	shalt  }
0x81: {  	_ =	shalt  }
0x82: {  	_ =	shalt  }
0x83: {  	_ =	shalt  }
0x84: {  	_ =	shalt  }
0x85: {  	_ =	shalt  }
0x86: {  	_ =	shalt  }
0x87: {  	_ =	shalt  }
.Lfunc_end0:
.L_simem_size_0:
called_computation_lowered:
.L_overlay_start_0:
0x88: {  	s2 =	sld [smem:$0x3FD9]  }
0x89: {  	s3 =	sld [smem:$0x3FFE];
	_ =	sdelay $0x1  }
0x8a: {  	s1 =	srdreg.scid  }
0x8b: {  	s0 =	sand.u32 $0x1, s1  }
0x8c: {  	s14 =	sshll.u32 s0, $0xA;
	s2 =	sadd.s32 s3, s2  }
0x8d: {  	s2 =	sadd.s32 s2, s14  }
0x8e: {  	[smem:$0x3FC6] =	sst s2  }
0x8f: {  	_ = 	snop  }
0x90: {  	s2 =	sld [smem:$0x3FD0];
	_ =	sdelay $0x2  }
0x91: {  	s4 =	simm.s32 $0xA;
	s5 =	simm.s32 $0x10;
	s15 =	sld [smem:$0x3FC8]  }
0x92: {  	[smem:s5], [sflag:s4] =	dma.local [hbm:s2], $0x1  }
0x93: {  	_ =	swait.eq [sflag:s4], $0x1  }
0x94: {  	[sflag:s4] =	ssyncset.done $0x0  }
0x95: {  	[sflag:s4] =	ssyncadd.s32 $0xFFFFFFFF  }
0x96: {  	s16 =	sld [smem:$0x10];
	(tm) =	ssettm $0x1  }
0x97: {  	s17 =	sld [smem:$0x3FFB];
	_ =	sdelay $0x3  }
0x98: {  	_ =	strace s17  }
0x99: {  	s4 =	sld [smem:$0x3FFC];
	_ =	sdelay $0x3  }
0x9a: {  	_ =	strace s4  }
0x9b: {  	s4 =	sld [smem:$0x3FFD];
	_ =	sdelay $0x3  }
0x9c: {  	_ =	strace s4  }
0x9d: {  	_ =	strace $0x8FFFFFFF  }
0x9e: {  	s18 =	sld [smem:$0x3FDB];
	_ =	sdelay $0x1  }
0x9f: {  	s19 =	simm.s32 $_scs_section_size  }
0xa0: {  	s6 =	simm.s32 $_size__tile_overlayer_lowered;
	s7 =	simm.s32 $_tile_overlayer_lowered  }
0xa1: {  	s22 =	simm.s32 $0x1BFF;
	s21 =	sshll.u32 s7, $0x1;
	s4 =	sadd.s32 s19, s18  }
0xa2: {  	s8 =	simm.s32 $0x0;
	s20 =	sshll.u32 s6, $0x1;
	s6 =	sadd.s32 s21, s4  }
0xa3: {  	[timem:s8], [sflag:s22] =	dma.local [hbm:s6], s20  }
0xa4: {  	_ =	swait.ge [sflag:s22], s20  }
0xa5: {  	s5 =	ssub.s32 $0x0, s20;
	[sflag:s22] =	ssyncset.done $0x0  }
0xa6: {  	[sflag:s22] =	ssyncadd.s32 s5;
	_ =	sdelay $0x1  }
0xa7: {  	s23 =	simm.s32 $0x1B8B  }
0xa8: {  	_ =	swait.ge [sflag:s23], $0x1  }
0xa9: {  	[sflag:s23] =	ssyncset.done $0x0  }
0xaa: {  	s25 =	simm.s32 $0x1B8E;
	s24 =	sld [smem:$0x3FFE];
	[sflag:s23] =	ssyncadd.s32 $0xFFFFFFFF  }
0xab: {  	s26 =	simm.s32 $execute0_lowered;
	[smem:$0x3FD2] =	sst s25  }
0xac: {  	s6 =	sshll.u32 s26, $0x1;
	_ =	strace $0x80000046;
	[dreg:$0x1] =	wrdreg $0xFFFFFFFF  }
0xad: {  	s28 =	simm.s32 $_size_execute0_lowered;
	s4 =	sadd.s32 s4, s6;
	[dreg:$0x0] =	wrdreg $0x0  }
0xae: {  	s6 =	sshll.u32 s28, $0x1;
	[dreg:$0x2] =	wrdreg s4  }
0xaf: {  	[dreg:$0x3] =	wrdreg s6  }
0xb0: {  	[dreg:$0x4] =	wrdreg $0xC0  }
0xb1: {  	_ =	task [dreg:s8], $0x5FFFF  }
0xb2: {  	[dreg:$0x1] =	wrdreg $0xFFFFFFFF  }
0xb3: {  	[dreg:$0x0] =	wrdreg $0x60  }
0xb4: {  	[dreg:$0x2] =	wrdreg s16  }
0xb5: {  	[dreg:$0x3] =	wrdreg s15  }
0xb6: {  	[dreg:$0x4] =	wrdreg s24  }
0xb7: {  	[dreg:$0x5] =	wrdreg $0x9  }
0xb8: {  	_ =	task.clear_ibuf [dreg:s8], $0x6FFFF;
	_ =	strace $0x90000046  }
0xb9: {  	s29 =	simm.s32 $0x9;
	_ =	strace $0x80000048  }
0xba: {  	_ =	swait.ge [sflag:s29], $0x1  }
0xbb: {  	[sflag:s29] =	ssyncadd.s32 $0xFFFFFFFF  }
0xbc: {  	_ =	strace $0x90000048  }
0xbd: {  	_ =	sfence  }
0xbe: {  	s30 =	sld [smem:$0x0];
	_ =	sdelay $0x2  }
0xbf: {  	s31 =	sshll.u32 s1, $0xD;
	s1 =	sshrl.u32 s1, $0x2  }
0xc0: {  	s3 =	sand.u32 $0x4000, s31;
	s1 =	sadd.s32 s1, s30  }
0xc1: {  	s0 =	sor.u32 s3, s0;
	s1 =	sshll.u32 s1, $0x11  }
0xc2: {  	s0 =	sor.u32 s1, s0  }
0xc3: {  	s0 =	sadd.s32 $0x8F2B, s0  }
0xc4: {  	[sflag:s0] =	ssyncadd.remote.s32 $0x1  }
0xc5: {  	_ =	sfence.sel $0xFFFF  }
0xc6: {  	[dreg:$0x0] =	wrdreg $0xFFFFFFFF;
	(pc) =	sbr.abs _section_cstart, $3  }
0xc7: {  	[dreg:$0x1] =	wrdreg $0xFFFFFFFF  }
0xc8: {  	_ =	task.clear_ibuf [dreg:s8], $0x2FFFF;
	_ =	strace $0x9FFFFFFF  }
0xc9: {  	(tm) =	ssettm $0x7FFFFFFF  }
tec
execute0_lowered:
.L_overlay_start_1:
0x0: {  	(tag) =	ssettag $0x1  }
0x1: {  	s5 =	rddreg [dreg:$0x0]  }
0x2: {  	s0 =	rddreg [dreg:$0x2]  }
0x3: {  	s1 =	srdreg.scid;
	s2 =	stileid.u32;
	s19 =	simm.s32 $0x0  }
0x4: {  	s1 =	sand.u32 $0x1, s1;
	s2 =	sshll.u32 s2, $0x1;
	[smem:$0x7FF] =	sst s19  }
0x5: {  	s6 =	sadd.s32 $0x600, s0;
	s10 =	sadd.s32 $0x1200, s0;
	s3 =	ssub.s32 $0x2, s1  }
0x6: {  	s1 =	sor.u32 s1, s2;
	_ =	strace $0x80000047;
	[dreg:$0x4] =	wrdreg s6  }
0x7: {  	[dreg:$0x11] =	wrdreg s10;
	s4 =	smul.u32 $0x6000, s1;
	s7 =	sshll.u32 s1, $0x3  }
0x8: {  	s22 =	sshrl.u32 s3, $0x1;
	s28 =	sor.u32 $0x2, s7;
	[dreg:$0x5] =	wrdreg s7  }
0x9: {  	s30 =	sor.u32 $0x3, s7;
	s8 =	sadd.s32 s5, s4;
	[dreg:$0xc] =	wrdreg s28  }
0xa: {  	s24 =	sor.u32 $0xC00, s4;
	s4 =	sadd.s32 s6, s4;
	[dreg:$0xd] =	wrdreg s30  }
0xb: {  	s2 =	ssub.s32 s3, s22;
	[dreg:$0x8] =	wrdreg s4  }
0xc: {  	s23 =	smul.u32 $0x30000, s1;
	s31 =	smax.u32 s2, $0x1;
	[dreg:$0x6] =	wrdreg s8  }
0xd: {  	s9 =	sadd.s32 s5, s24;
	[dreg:$0x10] =	wrdreg s31  }
0xe: {  	s3 =	sshrl.u32 s23, $0x3;
	s25 =	sadd.s32 $0x1800, s8;
	[dreg:$0x7] =	wrdreg s9  }
0xf: {  	v0 =	vimm.s32 $0xECA86420;
	vm0 =	vcmask $0xB08;
	s1 =	sadd.s32 s6, s24;
	s26 =	sadd.s32 s5, s3;
	[dreg:$0x9] =	wrdreg s25  }
0x10: {  	vm1 =	vcmask $0x1310;
	vm2 =	vcmask $0x1B18;
	vm3 =	vcmask $0x300;
	s29 =	sadd.s32 s6, s3;
	[dreg:$0xa] =	wrdreg s1;
	s1 =	sadd.s32 $0x2400, s26  }
0x11: {  	vm4 =	vcmask $0x2320;
	vm5 =	vcmask $0x2B28;
	v1 =	vunpack.c.l.s4.s8 v0;
	s3 =	sadd.s32 $0x4800, s29;
	[dreg:$0xb] =	wrdreg s1  }
0x12: {  	s20 =	simm.s32 $0x6300;
	vm6 =	vcmask $0x3330;
	vm7 =	vcmask $0x3B38;
	v0 =	vlaneseq.u32;
	[dreg:$0xe] =	wrdreg s3;
	s1 =	sadd.s32 $0x5400, s29  }
0x13: {  	s21 =	simm.s32 $0xC300;
	vm8 =	vmmov $0xff;
	v2 =	vmul.u32 $0x2, v0;
	v1 =	vunpack.c.0.s8.s32 v1;
	[dreg:$0xf] =	wrdreg s1;
	s1 =	simm.s32 $0x0  }
.LBB2_1:
0x14: {  	[dreg:$0x12] =	wrdreg s1  }
0x15: {  	s0 =	rddreg [dreg:$0x1];
	s31 =	simm.s32 $0x5  }
0x16: {  	[tilespmem:s19], [sflag:$0x5] =	stream.linear.gather [hbm4b:s0+s19], $0x300, $0x38;
	[tilespmem:$0x1E300] =	vst v63  }
0x17: {  	_ =	swait.ge [sflag:s31], $0x300  }
0x18: {  	s15 =	simm.s32 $0x320;
	[sflag:s31] =	ssyncset.done $0x0  }
0x19: {  	s1 =	simm.s32 $0x0;
	s0 =	simm.s32 $0xFFFFFFFC;
	[sflag:s31] =	ssyncadd.s32 $0xFFFFFD00  }
.LBB2_2:
0x1a: {  	v3 =	vmov s1  }
0x1b: {  	v5 =	vshra.s32 v3, $0xA  }
0x1c: {  	(v2sf) =	vpush v5, $0xD;
	_ =	sdelay $0x1  }
0x1d: {  	(v2sf) =	vpush v5, $0xC;
	_ =	sdelay $0x1  }
0x1e: {  	(v2sf) =	vpush v5, $0xE;
	_ =	sdelay $0x1  }
0x1f: {  	(v2sf) =	vpush v5, $0xF;
	_ =	sdelay $0x1  }
0x20: {  	(v2sf) =	vpush v5, $0x9;
	_ =	sdelay $0x1  }
0x21: {  	(v2sf) =	vpush v5, $0x8  }
0x22: {  	(v2sf) =	vpush v5, $0xA;
	_ =	sdelay $0x3  }
0x23: {  	[dreg:$0x14] =	wrdreg s15;
	(v2sf) =	vpush v5, $0xB;
	s17 =	spop (v2sf)  }
0x24: {  	[dreg:$0x13] =	wrdreg s0;
	s7 =	smulhi.u32 $0x2AAAAAAB, s17;
	s0 =	sshra.s32 s17, $0x1F  }
0x25: {  	(v2sf) =	vpush v5, $0x1;
	s18 =	spop (v2sf);
	s15 =	smul.u32 $0x2AAAAAAB, s0  }
0x26: {  	s8 =	smulhi.u32 $0x2AAAAAAB, s18;
	s0 =	sshra.s32 s18, $0x1F  }
0x27: {  	(v2sf) =	vpush v5, $0x0;
	s19 =	spop (v2sf);
	s11 =	smul.u32 $0x2AAAAAAB, s0  }
0x28: {  	s9 =	smulhi.u32 $0x2AAAAAAB, s19;
	s0 =	sshra.s32 s19, $0x1F  }
0x29: {  	(v2sf) =	vpush v5, $0x2;
	s22 =	spop (v2sf);
	s25 =	smul.u32 $0x2AAAAAAB, s0  }
0x2a: {  	[dreg:$0x15] =	wrdreg s1;
	s10 =	smulhi.u32 $0x2AAAAAAB, s22;
	s0 =	sshra.s32 s22, $0x1F  }
0x2b: {  	(v2sf) =	vpush v5, $0x3;
	s23 =	spop (v2sf);
	s1 =	smul.u32 $0x2AAAAAAB, s0  }
0x2c: {  	s12 =	smulhi.u32 $0x2AAAAAAB, s23;
	s0 =	sshra.s32 s23, $0x1F  }
0x2d: {  	(v2sf) =	vpush v5, $0x4;
	s24 =	spop (v2sf);
	s0 =	smul.u32 $0x2AAAAAAB, s0  }
0x2e: {  	s13 =	smulhi.u32 $0x2AAAAAAB, s24;
	s26 =	spop (v2sf)  }
0x2f: {  	(v2sf) =	vpush v5, $0x5;
	s2 =	smulhi.u32 $0x2AAAAAAB, s26;
	[smem:$0x7E9] =	sst s0;
	s0 =	sshra.s32 s24, $0x1F  }
0x30: {  	s23 =	smul.u32 $0x2AAAAAAB, s0;
	s0 =	sshra.s32 s26, $0x1F  }
0x31: {  	s29 =	rddreg [dreg:$0x15];
	(v2sf) =	vpush v5, $0x6;
	s0 =	smul.u32 $0x2AAAAAAB, s0  }
0x32: {  	s28 =	spop (v2sf);
	[smem:$0x7EA] =	sst s2  }
0x33: {  	(v2sf) =	vpush v5, $0x7;
	s3 =	smulhi.u32 $0x2AAAAAAB, s28;
	[smem:$0x7EB] =	sst s0;
	s0 =	sshra.s32 s28, $0x1F  }
0x34: {  	s2 =	sadd.s32 $0x10, s29;
	s6 =	smul.u32 $0x2AAAAAAB, s0;
	s30 =	spop (v2sf)  }
0x35: {  	[dreg:$0x16] =	wrdreg s2;
	v3 =	vmov s2;
	s4 =	smulhi.u32 $0x2AAAAAAB, s30;
	s0 =	sshra.s32 s30, $0x1F  }
0x36: {  	v3 =	vshra.s32 v3, $0xA;
	s31 =	spop (v2sf);
	s5 =	smul.u32 $0x2AAAAAAB, s0  }
0x37: {  	[smem:$0x7EC] =	sst s3;
	(v2sf) =	vpush v3, $0xD;
	s3 =	smulhi.u32 $0x2AAAAAAB, s31;
	s0 =	sshra.s32 s31, $0x1F  }
0x38: {  	s25 =	sadd.s32 s25, s9;
	s14 =	spop (v2sf);
	s29 =	smul.u32 $0x2AAAAAAB, s0  }
0x39: {  	s9 =	sld [smem:$0x7EB];
	(v2sf) =	vpush v3, $0xC;
	s16 =	smulhi.u32 $0x2AAAAAAB, s14;
	s0 =	sshra.s32 s14, $0x1F  }
0x3a: {  	(v2sf) =	vpush v3, $0xE;
	s17 =	spop (v2sf);
	s0 =	smul.u32 $0x2AAAAAAB, s0  }
0x3b: {  	[smem:$0x7ED] =	sst s3;
	s18 =	smulhi.u32 $0x2AAAAAAB, s17  }
0x3c: {  	s19 =	spop (v2sf);
	[smem:$0x7EE] =	sst s16  }
0x3d: {  	(v2sf) =	vpush v3, $0xF;
	s22 =	smulhi.u32 $0x2AAAAAAB, s19;
	[smem:$0x7EF] =	sst s0;
	s0 =	sshra.s32 s17, $0x1F  }
0x3e: {  	(v2sf) =	vpush v3, $0x9;
	s24 =	spop (v2sf);
	s0 =	smul.u32 $0x2AAAAAAB, s0  }
0x3f: {  	[smem:$0x7F0] =	sst s18;
	s26 =	smulhi.u32 $0x2AAAAAAB, s24  }
0x40: {  	(v2sf) =	vpush v3, $0x8;
	s28 =	spop (v2sf);
	[smem:$0x7F1] =	sst s0;
	s0 =	sshra.s32 s19, $0x1F  }
0x41: {  	[smem:$0x7F2] =	sst s22;
	s0 =	smul.u32 $0x2AAAAAAB, s0  }
0x42: {  	s30 =	smulhi.u32 $0x2AAAAAAB, s28;
	s31 =	spop (v2sf)  }
0x43: {  	(v2sf) =	vpush v3, $0xA;
	s14 =	smulhi.u32 $0x2AAAAAAB, s31;
	[smem:$0x7F3] =	sst s0;
	s0 =	sshra.s32 s24, $0x1F  }
0x44: {  	[smem:$0x7F4] =	sst s26;
	s2 =	smul.u32 $0x2AAAAAAB, s0;
	s0 =	sshra.s32 s28, $0x1F  }
0x45: {  	[smem:$0x7F5] =	sst s30;
	s3 =	smul.u32 $0x2AAAAAAB, s0;
	s0 =	sshra.s32 s31, $0x1F  }
0x46: {  	(v2sf) =	vpush v3, $0xB;
	s30 =	smul.u32 $0x2AAAAAAB, s0;
	s16 =	spop (v2sf)  }
0x47: {  	[smem:$0x7F6] =	sst s14;
	s17 =	smulhi.u32 $0x2AAAAAAB, s16;
	s0 =	sshra.s32 s16, $0x1F  }
0x48: {  	s23 =	sadd.s32 s23, s13;
	s18 =	spop (v2sf);
	s28 =	smul.u32 $0x2AAAAAAB, s0  }
0x49: {  	s31 =	smulhi.u32 $0x2AAAAAAB, s18;
	s0 =	sshra.s32 s18, $0x1F;
	s19 =	spop (v2sf)  }
0x4a: {  	s18 =	sadd.s32 s11, s8;
	s11 =	sld [smem:$0x7E9];
	s22 =	smul.u32 $0x2AAAAAAB, s0  }
0x4b: {  	[smem:$0x7F7] =	sst s17;
	s26 =	smulhi.u32 $0x2AAAAAAB, s19;
	s0 =	sshra.s32 s19, $0x1F  }
0x4c: {  	s8 =	spop (v2sf);
	s19 =	sadd.s32 s1, s10;
	s17 =	smul.u32 $0x2AAAAAAB, s0  }
0x4d: {  	s16 =	smulhi.u32 $0x2AAAAAAB, s8;
	s0 =	sshra.s32 s8, $0x1F;
	s10 =	spop (v2sf)  }
0x4e: {  	s24 =	sadd.s32 s15, s7;
	s8 =	sld [smem:$0x7EA];
	s14 =	smul.u32 $0x2AAAAAAB, s0  }
0x4f: {  	(v2sf) =	vpush v3, $0x1;
	s15 =	smulhi.u32 $0x2AAAAAAB, s10;
	s0 =	sshra.s32 s10, $0x1F;
	s13 =	spop (v2sf)  }
0x50: {  	s1 =	sadd.s32 s11, s12;
	s10 =	sld [smem:$0x7EC];
	s11 =	smul.u32 $0x2AAAAAAB, s0  }
0x51: {  	[dreg:$0x1b] =	wrdreg s1;
	s12 =	smulhi.u32 $0x2AAAAAAB, s13;
	s1 =	sadd.s32 s9, s8  }
0x52: {  	s0 =	sshra.s32 s13, $0x1F;
	s13 =	spop (v2sf);
	[dreg:$0x1e] =	wrdreg s1  }
0x53: {  	s1 =	sadd.s32 s6, s10;
	s6 =	sadd.s32 s5, s4;
	s5 =	rddreg [dreg:$0x15]  }
0x54: {  	s9 =	smul.u32 $0x2AAAAAAB, s0;
	[dreg:$0x1c] =	wrdreg s1  }
0x55: {  	s7 =	spop (v2sf);
	[smem:$0x7F8] =	sst s6  }
0x56: {  	s0 =	sshra.s32 s13, $0x1F;
	s8 =	smulhi.u32 $0x2AAAAAAB, s7;
	s6 =	sld [smem:$0x7ED]  }
0x57: {  	s1 =	smul.u32 $0x2AAAAAAB, s0;
	s0 =	sshra.s32 s7, $0x1F;
	s7 =	sld [smem:$0x7EE]  }
0x58: {  	s4 =	sadd.s32 $0x20, s5;
	s5 =	sld [smem:$0x7F0]  }
0x59: {  	(v2sf) =	vpush v3, $0x0;
	s10 =	smulhi.u32 $0x2AAAAAAB, s13;
	s13 =	sadd.s32 s29, s6;
	s29 =	sld [smem:$0x7EF]  }
0x5a: {  	s6 =	sld [smem:$0x7F1];
	_ =	sdelay $0x1  }
0x5b: {  	(v2sf) =	vpush v3, $0x2;
	[dreg:$0x17] =	wrdreg s4;
	v4 =	vmov s4;
	s4 =	sadd.s32 s29, s7  }
0x5c: {  	s7 =	smul.u32 $0x2AAAAAAB, s0;
	s0 =	sadd.s32 s6, s5;
	s5 =	sld [smem:$0x7F2]  }
0x5d: {  	(v2sf) =	vpush v3, $0x3;
	s29 =	spop (v2sf);
	[smem:$0x7FA] =	sst s0  }
0x5e: {  	s6 =	smulhi.u32 $0x2AAAAAAB, s29;
	s0 =	sshra.s32 s29, $0x1F;
	s29 =	sld [smem:$0x7F3]  }
0x5f: {  	(v2sf) =	vpush v3, $0x4  }
0x60: {  	[smem:$0x7F9] =	sst s4  }
0x61: {  	s4 =	sadd.s32 s29, s5;
	s29 =	sld [smem:$0x7F4]  }
0x62: {  	(v2sf) =	vpush v3, $0x5  }
0x63: {  	s14 =	sadd.s32 s14, s16  }
0x64: {  	(v2sf) =	vpush v3, $0x6;
	[dreg:$0x1d] =	wrdreg s14;
	s2 =	sadd.s32 s2, s29  }
0x65: {  	v6 =	vmov s18;
	s18 =	sshrl.u32 s18, $0x1F;
	[smem:$0x7FC] =	sst s2  }
0x66: {  	v7 =	vmov s18;
	s18 =	sshrl.u32 s23, $0x1F;
	(v2sf) =	vpush v3, $0x7;
	v4 =	vshra.s32 v4, $0xA;
	s5 =	smul.u32 $0x2AAAAAAB, s0;
	s2 =	sld [smem:$0x7F6]  }
0x67: {  	s31 =	sadd.s32 s22, s31;
	(v2sf) =	vpush v4, $0xD;
	s0 =	spop (v2sf);
	s29 =	sld [smem:$0x7F5]  }
0x68: {  	s17 =	sadd.s32 s17, s26;
	[smem:$0x7FB] =	sst s4;
	s4 =	smulhi.u32 $0x2AAAAAAB, s0  }
0x69: {  	(v2sf) =	vpush v4, $0xC;
	s0 =	sshra.s32 s0, $0x1F;
	s2 =	sadd.s32 s30, s2;
	s30 =	sld [smem:$0x7F7]  }
0x6a: {  	s29 =	sadd.s32 s3, s29;
	s3 =	smul.u32 $0x2AAAAAAB, s0;
	s0 =	spop (v2sf)  }
0x6b: {  	s11 =	sadd.s32 s11, s15;
	(v2sf) =	vpush v4, $0xE;
	[smem:$0x7FD] =	sst s2;
	s2 =	smulhi.u32 $0x2AAAAAAB, s0  }
0x6c: {  	s0 =	sshra.s32 s0, $0x1F;
	s28 =	sadd.s32 s28, s30;
	s30 =	spop (v2sf)  }
0x6d: {  	s12 =	sadd.s32 s9, s12;
	(v2sf) =	vpush v4, $0xF;
	[dreg:$0x1f] =	wrdreg s28;
	s28 =	smul.u32 $0x2AAAAAAB, s0  }
0x6e: {  	s22 =	smulhi.u32 $0x2AAAAAAB, s30;
	s0 =	sshra.s32 s30, $0x1F;
	s30 =	spop (v2sf);
	(v2sf) =	vpush v4, $0x9  }
0x6f: {  	s14 =	sadd.s32 s1, s10;
	v9 =	vmov s13;
	s13 =	sshrl.u32 s13, $0x1F;
	s26 =	smul.u32 $0x2AAAAAAB, s0  }
0x70: {  	s7 =	sadd.s32 s7, s8;
	s16 =	smulhi.u32 $0x2AAAAAAB, s30;
	s0 =	sshra.s32 s30, $0x1F  }
0x71: {  	s10 =	sadd.s32 s5, s6;
	s30 =	spop (v2sf);
	s15 =	smul.u32 $0x2AAAAAAB, s0  }
0x72: {  	s5 =	sadd.s32 s3, s4;
	s9 =	smulhi.u32 $0x2AAAAAAB, s30;
	s0 =	sshra.s32 s30, $0x1F  }
0x73: {  	s2 =	sadd.s32 s28, s2;
	s1 =	smul.u32 $0x2AAAAAAB, s0;
	s0 =	spop (v2sf)  }
0x74: {  	s3 =	sadd.s32 s26, s22;
	s8 =	smulhi.u32 $0x2AAAAAAB, s0;
	s30 =	sshra.s32 s0, $0x1F  }
0x75: {  	s15 =	sadd.s32 s15, s16;
	s0 =	smul.u32 $0x2AAAAAAB, s30;
	s30 =	spop (v2sf)  }
0x76: {  	s4 =	smulhi.u32 $0x2AAAAAAB, s30;
	s6 =	sshra.s32 s30, $0x1F;
	s30 =	spop (v2sf)  }
0x77: {  	(v2sf) =	vpush v4, $0x8;
	[dreg:$0x1a] =	wrdreg s15;
	s22 =	smulhi.u32 $0x2AAAAAAB, s30;
	s28 =	sshra.s32 s30, $0x1F  }
0x78: {  	s1 =	sadd.s32 s1, s9;
	s30 =	spop (v2sf);
	s15 =	smul.u32 $0x2AAAAAAB, s28  }
0x79: {  	[dreg:$0x19] =	wrdreg s1;
	s1 =	smulhi.u32 $0x2AAAAAAB, s30;
	s26 =	sshra.s32 s30, $0x1F  }
0x7a: {  	s16 =	sshrl.u32 s24, $0x1F;
	s9 =	smul.u32 $0x2AAAAAAB, s26;
	s28 =	spop (v2sf)  }
0x7b: {  	v6 =	vsel vm0, s24, v6;
	v7 =	vsel vm0, s16, v7;
	s16 =	sshrl.u32 s19, $0x1F;
	s24 =	smulhi.u32 $0x2AAAAAAB, s28;
	s26 =	sshra.s32 s28, $0x1F  }
0x7c: {  	v6 =	vsel vm1, s25, v6;
	(v2sf) =	vpush v4, $0xA;
	s30 =	sshrl.u32 s25, $0x1F;
	s26 =	smul.u32 $0x2AAAAAAB, s26;
	s28 =	spop (v2sf)  }
0x7d: {  	v8 =	vsel vm2, s19, v6;
	v40 =	vsel vm1, s30, v7;
	s19 =	smulhi.u32 $0x2AAAAAAB, s28;
	s25 =	sshra.s32 s28, $0x1F;
	s30 =	spop (v2sf)  }
0x7e: {  	(v2sf) =	vpush v4, $0xB;
	s28 =	smul.u32 $0x2AAAAAAB, s25;
	s25 =	sadd.s32 s0, s8;
	s0 =	sld [smem:$0x7F8]  }
0x7f: {  	v41 =	vmov s23;
	v10 =	vsel vm2, s16, v40;
	s16 =	smulhi.u32 $0x2AAAAAAB, s30;
	s23 =	sshra.s32 s30, $0x1F;
	s30 =	sld [smem:$0x7F9]  }
0x80: {  	v11 =	vmov s13;
	v18 =	vmov s5;
	s13 =	smul.u32 $0x2AAAAAAB, s23;
	s23 =	sadd.s32 s15, s22;
	s22 =	sld [smem:$0x7FB]  }
0x81: {  	v14 =	vmov s12;
	s12 =	sshrl.u32 s12, $0x1F;
	v53 =	vnsel vm3, $0x0, v18;
	s15 =	sadd.s32 s26, s24;
	s24 =	sld [smem:$0x7FC]  }
0x82: {  	v55 =	vsel vm0, s10, v53;
	s10 =	sshrl.u32 s10, $0x1F;
	s6 =	smul.u32 $0x2AAAAAAB, s6;
	(v2sf) =	vpush v4, $0x1;
	[dreg:$0x18] =	wrdreg s23  }
0x83: {  	v43 =	vmov s18;
	v11 =	vnsel vm3, $0x0, v11;
	s18 =	sadd.s32 s9, s1;
	s23 =	rddreg [dreg:$0x1c];
	s9 =	sshrl.u32 s0, $0x1F  }
0x84: {  	v42 =	vnsel vm3, $0x0, v9;
	(v2sf) =	vpush v4, $0x0;
	v11 =	vsel vm0, s9, v11;
	s9 =	sadd.s32 s28, s19;
	s28 =	sadd.s32 s13, s16;
	s13 =	rddreg [dreg:$0x1b]  }
0x85: {  	s6 =	sadd.s32 s6, s4;
	v6 =	vsel vm0, s0, v42;
	s4 =	sshrl.u32 s30, $0x1F;
	s16 =	sld [smem:$0x7FA]  }
0x86: {  	v48 =	vmov s31;
	(v2sf) =	vpush v4, $0x2;
	v6 =	vsel vm1, s30, v6;
	s19 =	rddreg [dreg:$0x1e];
	s26 =	sshrl.u32 s24, $0x1F;
	s30 =	spop (v2sf)  }
0x87: {  	(v2sf) =	vpush v4, $0x3;
	v7 =	vsel vm0, s13, v41;
	s0 =	sshrl.u32 s13, $0x1F;
	s1 =	sshrl.u32 s19, $0x1F;
	v11 =	vsel vm1, s4, v11;
	s4 =	sshrl.u32 s23, $0x1F  }
0x88: {  	s13 =	sshrl.u32 s22, $0x1F;
	v7 =	vsel vm1, s19, v7;
	v9 =	vsel vm0, s0, v43;
	s19 =	sshra.s32 s30, $0x1F;
	v6 =	vsel vm2, s16, v6;
	s8 =	sshrl.u32 s16, $0x1F  }
0x89: {  	v7 =	vsel vm2, s23, v7;
	v44 =	vsel vm1, s1, v9;
	s1 =	smul.u32 $0x2AAAAAAB, s19;
	s23 =	sshrl.u32 s31, $0x1F;
	v6 =	vsel vm4, s22, v6;
	s22 =	sld [smem:$0x7FD]  }
0x8a: {  	(v2sf) =	vpush v4, $0x4;
	s31 =	sshrl.u32 s17, $0x1F;
	s19 =	sshrl.u32 s14, $0x1F;
	v11 =	vsel vm2, s8, v11;
	s8 =	rddreg [dreg:$0x15];
	v7 =	vcombine.low v7, v8  }
0x8b: {  	v8 =	vsel vm1, s2, v55;
	v6 =	vsel vm5, s24, v6;
	v11 =	vsel vm4, s13, v11;
	s13 =	smulhi.u32 $0x2AAAAAAB, s30;
	s24 =	spop (v2sf);
	s8 =	sadd.s32 $0x30, s8  }
0x8c: {  	(v2sf) =	vpush v4, $0x5;
	v8 =	vsel vm2, s3, v8;
	s3 =	sshrl.u32 s3, $0x1F;
	v6 =	vsel vm6, s29, v6;
	s29 =	sshrl.u32 s29, $0x1F;
	s16 =	smulhi.u32 $0x2AAAAAAB, s24  }
0x8d: {  	v14 =	vsel vm0, s11, v14;
	v45 =	vsel vm5, s26, v11;
	s26 =	sshra.s32 s24, $0x1F;
	s24 =	spop (v2sf);
	s0 =	sshrl.u32 s22, $0x1F  }
0x8e: {  	v52 =	vmov s12;
	v12 =	vsel vm7, s22, v6;
	v47 =	vsel vm6, s29, v45;
	s29 =	rddreg [dreg:$0x1f];
	s22 =	smul.u32 $0x2AAAAAAB, s26;
	s26 =	sshrl.u32 s11, $0x1F  }
0x8f: {  	v51 =	vsel vm1, s14, v14;
	v46 =	vsel vm2, s4, v44;
	v50 =	vmov s23;
	s23 =	smulhi.u32 $0x2AAAAAAB, s24;
	s4 =	sshra.s32 s24, $0x1F;
	s30 =	sshrl.u32 s29, $0x1F  }
0x90: {  	v13 =	vsel vm7, s0, v47;
	v49 =	vsel vm0, s29, v48;
	s29 =	rddreg [dreg:$0x1d];
	s14 =	smul.u32 $0x2AAAAAAB, s4;
	s0 =	sadd.s32 s1, s13;
	v9 =	vsel vm0, s30, v50  }
0x91: {  	(v2sf) =	vpush v4, $0x6;
	s4 =	sshrl.u32 s7, $0x1F;
	v14 =	vsel vm0, s26, v52;
	s26 =	sshrl.u32 s5, $0x1F;
	v9 =	vsel vm1, s31, v9;
	s31 =	spop (v2sf)  }
0x92: {  	v17 =	vsel vm2, s7, v51;
	v10 =	vcombine.low v46, v10;
	(v2sf) =	vpush v4, $0x7;
	s30 =	sshrl.u32 s29, $0x1F;
	s11 =	smulhi.u32 $0x2AAAAAAB, s31;
	s13 =	sshra.s32 s31, $0x1F  }
0x93: {  	v16 =	vmov s8;
	v7 =	vperm.xlane v7, v1;
	v22 =	vmov s0;
	s0 =	sshrl.u32 s0, $0x1F;
	s24 =	spop (v2sf);
	s7 =	smul.u32 $0x2AAAAAAB, s13  }
0x94: {  	v6 =	vsel vm1, s17, v49;
	v54 =	vmov s26;
	v9 =	vsel vm2, s30, v9;
	s30 =	sshrl.u32 s2, $0x1F;
	s5 =	smulhi.u32 $0x2AAAAAAB, s24;
	s1 =	sshra.s32 s24, $0x1F  }
0x95: {  	v15 =	vsel vm2, s29, v6;
	v6 =	vshra.s32 v16, $0xA;
	v56 =	vnsel vm3, $0x0, v54;
	s2 =	sadd.s32 s22, s16;
	s29 =	spop (v2sf);
	s12 =	smul.u32 $0x2AAAAAAB, s1  }
0x96: {  	v10 =	vperm.xlane v10, v1;
	(v2sf) =	vpush v6, $0xD;
	v16 =	vsel vm0, s10, v56;
	s24 =	rddreg [dreg:$0x1a];
	s17 =	smulhi.u32 $0x2AAAAAAB, s29;
	s1 =	sshra.s32 s29, $0x1F  }
0x97: {  	v57 =	vperm.xlane v12, v2;
	v58 =	vperm.xlane v13, v2;
	v59 =	vsel vm1, s30, v16;
	s30 =	sshrl.u32 s25, $0x1F;
	s31 =	spop (v2sf);
	s10 =	smul.u32 $0x2AAAAAAB, s1  }
0x98: {  	v14 =	vsel vm1, s19, v14;
	(v2sf) =	vpush v6, $0xC;
	s13 =	sshrl.u32 s24, $0x1F;
	s19 =	smulhi.u32 $0x2AAAAAAB, s31;
	s22 =	sshra.s32 s31, $0x1F  }
0x99: {  	v7 =	vsel vm8, v57, v7;
	v23 =	vsel vm0, s28, v22;
	v10 =	vsel vm8, v58, v10;
	s1 =	sadd.s32 s14, s23;
	s23 =	spop (v2sf);
	s16 =	smul.u32 $0x2AAAAAAB, s22  }
0x9a: {  	(v2sf) =	vpush v6, $0xE;
	v8 =	vsel vm4, s24, v8;
	v13 =	vsel vm2, s3, v59;
	s29 =	rddreg [dreg:$0x19];
	s22 =	smulhi.u32 $0x2AAAAAAB, s23;
	s14 =	sshra.s32 s23, $0x1F  }
0x9b: {  	s3 =	sadd.s32 s7, s11;
	v8 =	vsel vm5, s29, v8;
	v60 =	vsel vm4, s13, v13;
	v13 =	vsel vm1, s2, v23;
	s26 =	spop (v2sf);
	s7 =	smul.u32 $0x2AAAAAAB, s14  }
0x9c: {  	(v2sf) =	vpush v6, $0xF;
	v8 =	vsel vm6, s25, v8;
	v13 =	vsel vm2, s1, v13;
	s1 =	sshrl.u32 s1, $0x1F;
	s14 =	sshrl.u32 s29, $0x1F;
	s23 =	smulhi.u32 $0x2AAAAAAB, s26  }
0x9d: {  	v7 =	vadd.s32 v10, v7;
	s11 =	sshra.s32 s26, $0x1F;
	v8 =	vsel vm7, s6, v8;
	s6 =	sshrl.u32 s6, $0x1F;
	s26 =	rddreg [dreg:$0x15]  }
0x9e: {  	(v2sf) =	vpush v6, $0x9;
	s24 =	smul.u32 $0x2AAAAAAB, s11;
	v10 =	vsel vm5, s14, v60;
	v61 =	vor.u32 s26, v0;
	s26 =	sadd.s32 s12, s5;
	s14 =	sadd.s32 s10, s17  }
0x9f: {  	s13 =	sadd.s32 s16, s19;
	s19 =	simm.s32 $0x0;
	s16 =	sshrl.u32 s28, $0x1F  }
0xa0: {  	s28 =	sshrl.u32 s13, $0x1F;
	s10 =	sadd.s32 s24, s23;
	s31 =	spop (v2sf);
	(v2sf) =	vpush v6, $0x8  }
0xa1: {  	v19 =	vmov s18;
	v63 =	vsel vm2, s4, v14;
	s23 =	sshrl.u32 s18, $0x1F;
	s24 =	rddreg [dreg:$0x18];
	s18 =	sshrl.u32 s2, $0x1F  }
0xa2: {  	v20 =	vcombine.low v17, v15;
	v10 =	vsel vm6, s30, v10;
	s25 =	smulhi.u32 $0x2AAAAAAB, s31;
	s11 =	sshra.s32 s31, $0x1F;
	s30 =	spop (v2sf);
	(v2sf) =	vpush v6, $0xA  }
0xa3: {  	v24 =	vmov s0;
	v9 =	vcombine.low v63, v9;
	v12 =	vsel vm0, s24, v19;
	s4 =	sshrl.u32 s24, $0x1F;
	s24 =	sshrl.u32 s3, $0x1F;
	s29 =	smul.u32 $0x2AAAAAAB, s11  }
0xa4: {  	v7 =	vmul.u32 $0x6, v7;
	v14 =	vperm.xlane v20, v1;
	s31 =	smulhi.u32 $0x2AAAAAAB, s30;
	s17 =	sshra.s32 s30, $0x1F;
	s11 =	sadd.s32 s7, s22;
	(v2sf) =	vpush v6, $0xB  }
0xa5: {  	v25 =	vmov s26;
	v10 =	vsel vm7, s6, v10;
	v21 =	vmov s23;
	s22 =	smul.u32 $0x2AAAAAAB, s17;
	s6 =	sadd.s32 s29, s25;
	s25 =	spop (v2sf)  }
0xa6: {  	v12 =	vsel vm1, s15, v12;
	v15 =	vsel vm0, s4, v21;
	s30 =	sshrl.u32 s9, $0x1F;
	(v2sf) =	vpush v6, $0x1;
	s4 =	smulhi.u32 $0x2AAAAAAB, s25;
	s7 =	sshra.s32 s25, $0x1F  }
0xa7: {  	v9 =	vperm.xlane v9, v1;
	v17 =	vnsel vm3, $0x0, v25;
	v12 =	vsel vm2, s9, v12;
	s5 =	sadd.s32 s22, s31;
	s31 =	spop (v2sf);
	s9 =	smul.u32 $0x2AAAAAAB, s7  }
0xa8: {  	v5 =	vsub.s32 v5, v7;
	v17 =	vsel vm0, s3, v17;
	s29 =	sshrl.u32 s15, $0x1F;
	(v2sf) =	vpush v6, $0x0;
	s7 =	smulhi.u32 $0x2AAAAAAB, s31;
	s15 =	sshra.s32 s31, $0x1F  }
0xa9: {  	v7 =	vshll.u32 v5, $0x7;
	v62 =	vand.u32 $0x4F, v61;
	v17 =	vsel vm1, s14, v17;
	s22 =	sshrl.u32 s26, $0x1F;
	s17 =	spop (v2sf);
	s12 =	smul.u32 $0x2AAAAAAB, s15  }
0xaa: {  	v16 =	vsel vm0, s16, v24;
	v17 =	vsel vm2, s13, v17;
	s26 =	sshrl.u32 s14, $0x1F;
	(v2sf) =	vpush v6, $0x2;
	s2 =	smulhi.u32 $0x2AAAAAAB, s17;
	s0 =	sshra.s32 s17, $0x1F  }
0xab: {  	v16 =	vsel vm1, s18, v16;
	v17 =	vsel vm4, s11, v17;
	v15 =	vsel vm1, s29, v15;
	s18 =	sshrl.u32 s6, $0x1F;
	s23 =	spop (v2sf);
	s16 =	smul.u32 $0x2AAAAAAB, s0  }
0xac: {  	v15 =	vsel vm2, s30, v15;
	v26 =	vmov s22;
	s30 =	sshrl.u32 s11, $0x1F;
	(v2sf) =	vpush v6, $0x3;
	s15 =	smulhi.u32 $0x2AAAAAAB, s23;
	s0 =	sshra.s32 s23, $0x1F  }
0xad: {  	v12 =	vcombine.low v13, v12;
	v27 =	vsel vm5, s10, v17;
	s22 =	sshrl.u32 s5, $0x1F;
	v18 =	vnsel vm3, $0x0, v26;
	s25 =	spop (v2sf);
	s3 =	smul.u32 $0x2AAAAAAB, s0  }
0xae: {  	v13 =	vsel vm6, s6, v27;
	v18 =	vsel vm0, s24, v18;
	s31 =	sshrl.u32 s10, $0x1F;
	(v2sf) =	vpush v6, $0x4;
	s14 =	smulhi.u32 $0x2AAAAAAB, s25;
	s0 =	sshra.s32 s25, $0x1F  }
0xaf: {  	v7 =	vor.u32 v62, v7;
	v13 =	vsel vm7, s5, v13;
	v18 =	vsel vm1, s26, v18;
	s5 =	sadd.s32 s12, s7;
	s13 =	smul.u32 $0x2AAAAAAB, s0;
	s29 =	spop (v2sf)  }
0xb0: {  	v5 =	vmul.u32 $0xFFFFFC80, v5;
	v16 =	vsel vm2, s1, v16;
	v18 =	vsel vm2, s28, v18;
	s1 =	sadd.s32 s16, s2;
	s11 =	smulhi.u32 $0x2AAAAAAB, s29;
	s0 =	sshra.s32 s29, $0x1F  }
0xb1: {  	v8 =	vperm.xlane v8, v2;
	v28 =	vsel vm4, s30, v18;
	v43 =	vmov s5;
	s5 =	sshrl.u32 s5, $0x1F;
	s17 =	spop (v2sf);
	s10 =	smul.u32 $0x2AAAAAAB, s0  }
0xb2: {  	v10 =	vperm.xlane v10, v2;
	v17 =	vsel vm5, s31, v28;
	s2 =	sadd.s32 s3, s15;
	(v2sf) =	vpush v6, $0x5;
	s6 =	smulhi.u32 $0x2AAAAAAB, s17;
	s0 =	sshra.s32 s17, $0x1F  }
0xb3: {  	v5 =	vadd.s32 v61, v5;
	v8 =	vsel vm8, v8, v14;
	v17 =	vsel vm6, s18, v17;
	s3 =	sadd.s32 s13, s14;
	s23 =	spop (v2sf);
	s17 =	smul.u32 $0x2AAAAAAB, s0  }
0xb4: {  	v9 =	vsel vm8, v10, v9;
	v29 =	vld.idx.msk [tilespmem:v7+s19+$0x0], $0xffff;
	v17 =	vsel vm7, s22, v17;
	s22 =	rddreg [dreg:$0x16];
	(v2sf) =	vpush v6, $0x6;
	s18 =	smulhi.u32 $0x2AAAAAAB, s23;
	s24 =	sshra.s32 s23, $0x1F  }
0xb5: {  	v5 =	vsub.s32 v5, v7;
	v8 =	vadd.s32 v9, v8;
	v30 =	vcombine.low v16, v15;
	s0 =	sadd.s32 s9, s4;
	s26 =	smul.u32 $0x2AAAAAAB, s24;
	s25 =	spop (v2sf)  }
0xb6: {  	v8 =	vmul.u32 $0x6, v8;
	v31 =	vperm.xlane v12, v1;
	(v2sf) =	vpush v6, $0x7;
	s10 =	sadd.s32 s10, s11;
	s7 =	smulhi.u32 $0x2AAAAAAB, s25;
	s4 =	sshra.s32 s25, $0x1F  }
0xb7: {  	v11 =	vperm.xlane v30, v1;
	v34 =	vperm.xlane v17, v2;
	v44 =	vsel vm0, s0, v43;
	s0 =	sshrl.u32 s0, $0x1F;
	s28 =	spop (v2sf);
	s16 =	smul.u32 $0x2AAAAAAB, s4  }
0xb8: {  	v3 =	vsub.s32 v3, v8;
	v32 =	vperm.xlane v13, v2;
	v45 =	vmov s10;
	s10 =	sshrl.u32 s10, $0x1F;
	s15 =	smulhi.u32 $0x2AAAAAAB, s28;
	s29 =	sshra.s32 s28, $0x1F  }
0xb9: {  	v33 =	vshrl.u32 v29, $0x7;
	v37 =	vsel vm8, v34, v11;
	v11 =	vsel vm0, s3, v45;
	s3 =	sshrl.u32 s3, $0x1F;
	s30 =	spop (v2sf);
	s31 =	smul.u32 $0x2AAAAAAB, s29  }
0xba: {  	v8 =	vshll.u32 v3, $0x7;
	v3 =	vmul.u32 $0xFFFFFC80, v3;
	v35 =	vmul.u32 $0x380, v33;
	s25 =	rddreg [dreg:$0x17];
	s23 =	smulhi.u32 $0x2AAAAAAB, s30;
	s12 =	sshra.s32 s30, $0x1F  }
0xbb: {  	v36 =	vsel vm8, v32, v31;
	v5 =	vadd.s32 v29, v5;
	v38 =	vor.u32 s22, v0;
	s4 =	sadd.s32 s17, s6;
	s24 =	spop (v2sf);
	s12 =	smul.u32 $0x2AAAAAAB, s12  }
0xbc: {  	v5 =	vadd.s32 v35, v5;
	v40 =	vand.u32 $0x7F, v38;
	v9 =	vadd.s32 v37, v36;
	s6 =	sadd.s32 s26, s18;
	s26 =	smulhi.u32 $0x2AAAAAAB, s24;
	s14 =	sshra.s32 s24, $0x1F  }
0xbd: {  	v3 =	vadd.s32 v38, v3;
	v8 =	vor.u32 v40, v8;
	v39 =	vmul.u32 $0x6, v9;
	s28 =	spop (v2sf);
	s7 =	sadd.s32 s16, s7;
	s14 =	smul.u32 $0x2AAAAAAB, s14  }
0xbe: {  	v47 =	vmov s5;
	v3 =	vsub.s32 v3, v8;
	v9 =	vsel vm1, s1, v44;
	s13 =	sadd.s32 s31, s15;
	s29 =	smulhi.u32 $0x2AAAAAAB, s28;
	s30 =	sshra.s32 s28, $0x1F  }
0xbf: {  	v52 =	vsel vm0, s0, v47;
	v4 =	vsub.s32 v4, v39;
	v9 =	vsel vm2, s2, v9;
	s15 =	rddreg [dreg:$0x14];
	s11 =	sadd.s32 s12, s23;
	s18 =	smul.u32 $0x2AAAAAAB, s30  }
0xc0: {  	v48 =	vmov s10;
	v11 =	vsel vm1, s4, v11;
	v46 =	vmov s13;
	s13 =	sshrl.u32 s13, $0x1F;
	s30 =	sshrl.u32 s4, $0x1F;
	s4 =	sshrl.u32 s2, $0x1F  }
0xc1: {  	v7 =	vshll.u32 v4, $0x7;
	v41 =	vor.u32 s25, v0;
	s9 =	sadd.s32 s14, s26;
	v12 =	vnsel vm3, $0x0, v46;
	s12 =	sadd.s32 s18, s29;
	s31 =	spop (v2sf)  }
0xc2: {  	v11 =	vsel vm2, s6, v11;
	v51 =	vmov s13;
	v12 =	vsel vm0, s7, v12;
	s7 =	sshrl.u32 s7, $0x1F;
	s22 =	smulhi.u32 $0x2AAAAAAB, s31;
	s23 =	sshra.s32 s31, $0x1F  }
0xc3: {  	v42 =	vand.u32 $0x7F, v41;
	v49 =	vcombine.low v11, v9;
	[tilespmem:s15+$0xFFFFFFE0] =	vst v5;
	v11 =	vnsel vm3, $0x0, v51;
	s29 =	sshrl.u32 s1, $0x1F;
	s24 =	spop (v2sf);
	s16 =	smul.u32 $0x2AAAAAAB, s23  }
0xc4: {  	v53 =	vsel vm0, s3, v48;
	v7 =	vor.u32 v42, v7;
	v8 =	vld.idx.msk [tilespmem:v8+s19+$0x0], $0xffff;
	v11 =	vsel vm0, s7, v11;
	s7 =	sshrl.u32 s6, $0x1F;
	s25 =	smulhi.u32 $0x2AAAAAAB, s24;
	s17 =	sshra.s32 s24, $0x1F  }
0xc5: {  	v13 =	vsel vm1, s30, v53;
	v5 =	vperm.xlane v49, v1;
	v12 =	vsel vm1, s11, v12;
	s31 =	sshrl.u32 s11, $0x1F;
	s26 =	spop (v2sf);
	s17 =	smul.u32 $0x2AAAAAAB, s17  }
0xc6: {  	v50 =	vsel vm2, s9, v12;
	v12 =	vsel vm1, s29, v52;
	s11 =	sshrl.u32 s9, $0x1F;
	v11 =	vsel vm1, s31, v11;
	s28 =	smulhi.u32 $0x2AAAAAAB, s26;
	s10 =	sshra.s32 s26, $0x1F  }
0xc7: {  	v13 =	vsel vm2, s7, v13;
	v12 =	vsel vm2, s4, v12;
	s23 =	sshrl.u32 s12, $0x1F;
	v11 =	vsel vm2, s11, v11;
	s18 =	sadd.s32 s16, s22;
	s22 =	smul.u32 $0x2AAAAAAB, s10  }
0xc8: {  	v9 =	vsel vm4, s12, v50;
	v12 =	vcombine.low v13, v12;
	v11 =	vsel vm4, s23, v11;
	s24 =	sadd.s32 s17, s25;
	s25 =	sshrl.u32 s18, $0x1F  }
0xc9: {  	v54 =	vshrl.u32 v8, $0x7;
	v9 =	vsel vm5, s18, v9;
	s26 =	sadd.s32 s22, s28;
	v11 =	vsel vm5, s25, v11;
	s28 =	sshrl.u32 s24, $0x1F  }
0xca: {  	v13 =	vmul.u32 $0x380, v54;
	v9 =	vsel vm6, s24, v9;
	v11 =	vsel vm6, s28, v11;
	s30 =	sshrl.u32 s26, $0x1F  }
0xcb: {  	v55 =	vperm.xlane v12, v1;
	v9 =	vsel vm7, s26, v9;
	v11 =	vsel vm7, s30, v11  }
0xcc: {  	v3 =	vadd.s32 v8, v3;
	v9 =	vperm.xlane v9, v2;
	v11 =	vperm.xlane v11, v2  }
0xcd: {  	v3 =	vadd.s32 v13, v3  }
0xce: {  	[tilespmem:s15+$0xFFFFFFF0] =	vst v3;
	v3 =	vsel vm8, v9, v5;
	v56 =	vsel vm8, v11, v55  }
0xcf: {  	v57 =	vld.idx.msk [tilespmem:v7+s19+$0x0], $0xffff;
	v3 =	vadd.s32 v56, v3  }
0xd0: {  	v3 =	vmul.u32 $0x6, v3;
	_ =	sdelay $0x1  }
0xd1: {  	v58 =	vor.u32 s8, v0;
	v4 =	vmul.u32 $0xFFFFFC80, v4;
	v3 =	vsub.s32 v6, v3  }
0xd2: {  	v59 =	vand.u32 $0x7F, v58;
	v6 =	vshll.u32 v3, $0x7  }
0xd3: {  	v4 =	vadd.s32 v41, v4;
	v60 =	vshrl.u32 v57, $0x7;
	v6 =	vor.u32 v59, v6  }
0xd4: {  	v4 =	vsub.s32 v4, v7;
	v61 =	vmul.u32 $0x380, v60  }
0xd5: {  	v4 =	vadd.s32 v57, v4  }
0xd6: {  	v4 =	vadd.s32 v61, v4  }
0xd7: {  	[tilespmem:s15+$0x0] =	vst v4  }
0xd8: {  	v4 =	vld.idx.msk [tilespmem:v6+s19+$0x0], $0xffff;
	_ =	sdelay $0x1  }
0xd9: {  	s31 =	rddreg [dreg:$0x13]  }
0xda: {  	s0 =	sadd.s32 $0x4, s31;
	v3 =	vmul.u32 $0xFFFFFC80, v3  }
0xdb: {  	p0 =	slt.u32 s0, $0x5FC  }
.Ltmp0:
0xdc: {  	v3 =	vadd.s32 v58, v3;
	v62 =	vshrl.u32 v4, $0x7;
	(pc) =	sbr.rel @p0 .LBB2_2-.Ltmp0, $4  }
0xdd: {  	v3 =	vsub.s32 v3, v6;
	v63 =	vmul.u32 $0x380, v62  }
0xde: {  	v3 =	vadd.s32 v4, v3  }
0xdf: {  	s29 =	rddreg [dreg:$0x15];
	v3 =	vadd.s32 v63, v3  }
0xe0: {  	s1 =	sadd.s32 $0x40, s29;
	[tilespmem:s15+$0x10] =	vst v3;
	s15 =	sadd.s32 $0x40, s15  }
0xe1: {  	s0 =	rddreg [dreg:$0x6]  }
0xe2: {  	[tilespmem:s20], [sflag:$0x1] =	stream.linear.gather [hbm4b:s0+s19], $0x6000, $0x38;
	[tilespmem:$0x1E300] =	vst v63  }
0xe3: {  	s31 =	rddreg [dreg:$0x7];
	s11 =	simm.s32 $0x1  }
0xe4: {  	[tilespmem:s21], [sflag:$0x2] =	stream.linear.gather [hbm4b:s31+s19], $0x6000, $0x38;
	[tilespmem:$0x1E300] =	vst v63  }
0xe5: {  	_ =	swait.ge [sflag:s11], $0x6000  }
0xe6: {  	s1 =	simm.s32 $0x340;
	[sflag:s11] =	ssyncset.done $0x0  }
0xe7: {  	s2 =	simm.s32 $0x12340;
	s0 =	simm.s32 $0xFFFFFFF8;
	[sflag:s11] =	ssyncadd.s32 $0xFFFFA000  }
.LBB2_4:
0xe8: {  	v3 =	vld [tilespmem:s1+$0xFFFFFFC0];
	_ =	sdelay $0x7  }
0xe9: {  	v3 =	vld.idx.msk [tilespmem:v3+s20+$0x0], $0xffff;
	_ =	sdelay $0x4  }
0xea: {  	[tilespmem:s2+$0xFFFFFFC0] =	vst v3  }
0xeb: {  	v3 =	vld [tilespmem:s1+$0xFFFFFFD0];
	_ =	sdelay $0x7  }
0xec: {  	v3 =	vld.idx.msk [tilespmem:v3+s20+$0x0], $0xffff;
	_ =	sdelay $0x4  }
0xed: {  	[tilespmem:s2+$0xFFFFFFD0] =	vst v3  }
0xee: {  	v3 =	vld [tilespmem:s1+$0xFFFFFFE0];
	_ =	sdelay $0x7  }
0xef: {  	v3 =	vld.idx.msk [tilespmem:v3+s20+$0x0], $0xffff;
	_ =	sdelay $0x4  }
0xf0: {  	[tilespmem:s2+$0xFFFFFFE0] =	vst v3  }
0xf1: {  	v3 =	vld [tilespmem:s1+$0xFFFFFFF0];
	_ =	sdelay $0x7  }
0xf2: {  	v3 =	vld.idx.msk [tilespmem:v3+s20+$0x0], $0xffff;
	_ =	sdelay $0x4  }
0xf3: {  	[tilespmem:s2+$0xFFFFFFF0] =	vst v3  }
0xf4: {  	v3 =	vld [tilespmem:s1+$0x0];
	_ =	sdelay $0x7  }
0xf5: {  	v3 =	vld.idx.msk [tilespmem:v3+s20+$0x0], $0xffff;
	_ =	sdelay $0x4  }
0xf6: {  	[tilespmem:s2+$0x0] =	vst v3  }
0xf7: {  	v3 =	vld [tilespmem:s1+$0x10];
	_ =	sdelay $0x7  }
0xf8: {  	v3 =	vld.idx.msk [tilespmem:v3+s20+$0x0], $0xffff;
	_ =	sdelay $0x4  }
0xf9: {  	[tilespmem:s2+$0x10] =	vst v3  }
0xfa: {  	v3 =	vld [tilespmem:s1+$0x20];
	_ =	sdelay $0x7  }
0xfb: {  	v3 =	vld.idx.msk [tilespmem:v3+s20+$0x0], $0xffff;
	_ =	sdelay $0x4  }
0xfc: {  	[tilespmem:s2+$0x20] =	vst v3  }
0xfd: {  	v3 =	vld [tilespmem:s1+$0x30];
	_ =	sdelay $0x6  }
0xfe: {  	s0 =	sadd.s32 $0x8, s0  }
0xff: {  	p0 =	slt.u32 s0, $0x5F8;
	v3 =	vld.idx.msk [tilespmem:v3+s20+$0x0], $0xffff  }
.Ltmp1:
0x100: {  	_ = 	snop;
	(pc) =	sbr.rel @p0 .LBB2_4-.Ltmp1, $2  }
0x101: {  	_ =	sdelay $0x2  }
0x102: {  	s1 =	sadd.s32 $0x80, s1;
	[tilespmem:s2+$0x30] =	vst v3;
	s2 =	sadd.s32 $0x80, s2  }
0x103: {  	s0 =	rddreg [dreg:$0x8];
	s12 =	simm.s32 $0x12300  }
0x104: {  	[hbm4b:s0+s19] =	stream.linear.scatter [tilespmem:s12], [sflag:$0x3], $0x6000, $0x38;
	[tilespmem:$0x1E300] =	vst v63  }
0x105: {  	s31 =	rddreg [dreg:$0x9];
	s13 =	simm.s32 $0x2  }
0x106: {  	[tilespmem:s20], [sflag:$0x1] =	stream.linear.gather [hbm4b:s31+s19], $0x6000, $0x38;
	[tilespmem:$0x1E300] =	vst v63  }
0x107: {  	s1 =	simm.s32 $0x340;
	_ =	swait.ge [sflag:s13], $0x6000  }
0x108: {  	s2 =	simm.s32 $0x18340;
	[sflag:s13] =	ssyncset.done $0x0;
	s9 =	rddreg [dreg:$0xd]  }
0x109: {  	s14 =	simm.s32 $0x18300;
	s10 =	rddreg [dreg:$0x11];
	[sflag:s13] =	ssyncadd.s32 $0xFFFFA000  }
0x10a: {  	s15 =	simm.s32 $0x3;
	s0 =	simm.s32 $0xFFFFFFF8;
	s5 =	rddreg [dreg:$0x0]  }
.LBB2_6:
0x10b: {  	v3 =	vld [tilespmem:s1+$0xFFFFFFC0];
	_ =	sdelay $0x7  }
0x10c: {  	v3 =	vld.idx.msk [tilespmem:v3+s21+$0x0], $0xffff;
	_ =	sdelay $0x4  }
0x10d: {  	[tilespmem:s2+$0xFFFFFFC0] =	vst v3  }
0x10e: {  	v3 =	vld [tilespmem:s1+$0xFFFFFFD0];
	_ =	sdelay $0x7  }
0x10f: {  	v3 =	vld.idx.msk [tilespmem:v3+s21+$0x0], $0xffff;
	_ =	sdelay $0x4  }
0x110: {  	[tilespmem:s2+$0xFFFFFFD0] =	vst v3  }
0x111: {  	v3 =	vld [tilespmem:s1+$0xFFFFFFE0];
	_ =	sdelay $0x7  }
0x112: {  	v3 =	vld.idx.msk [tilespmem:v3+s21+$0x0], $0xffff;
	_ =	sdelay $0x4  }
0x113: {  	[tilespmem:s2+$0xFFFFFFE0] =	vst v3  }
0x114: {  	v3 =	vld [tilespmem:s1+$0xFFFFFFF0];
	_ =	sdelay $0x7  }
0x115: {  	v3 =	vld.idx.msk [tilespmem:v3+s21+$0x0], $0xffff;
	_ =	sdelay $0x4  }
0x116: {  	[tilespmem:s2+$0xFFFFFFF0] =	vst v3  }
0x117: {  	v3 =	vld [tilespmem:s1+$0x0];
	_ =	sdelay $0x7  }
0x118: {  	v3 =	vld.idx.msk [tilespmem:v3+s21+$0x0], $0xffff;
	_ =	sdelay $0x4  }
0x119: {  	[tilespmem:s2+$0x0] =	vst v3  }
0x11a: {  	v3 =	vld [tilespmem:s1+$0x10];
	_ =	sdelay $0x7  }
0x11b: {  	v3 =	vld.idx.msk [tilespmem:v3+s21+$0x0], $0xffff;
	_ =	sdelay $0x4  }
0x11c: {  	[tilespmem:s2+$0x10] =	vst v3  }
0x11d: {  	v3 =	vld [tilespmem:s1+$0x20];
	_ =	sdelay $0x7  }
0x11e: {  	v3 =	vld.idx.msk [tilespmem:v3+s21+$0x0], $0xffff;
	_ =	sdelay $0x4  }
0x11f: {  	[tilespmem:s2+$0x20] =	vst v3  }
0x120: {  	v3 =	vld [tilespmem:s1+$0x30];
	_ =	sdelay $0x6  }
0x121: {  	s0 =	sadd.s32 $0x8, s0  }
0x122: {  	p0 =	slt.u32 s0, $0x5F8;
	v3 =	vld.idx.msk [tilespmem:v3+s21+$0x0], $0xffff  }
.Ltmp2:
0x123: {  	_ = 	snop;
	(pc) =	sbr.rel @p0 .LBB2_6-.Ltmp2, $2  }
0x124: {  	_ =	sdelay $0x2  }
0x125: {  	s1 =	sadd.s32 $0x80, s1;
	[tilespmem:s2+$0x30] =	vst v3;
	s2 =	sadd.s32 $0x80, s2  }
0x126: {  	s0 =	rddreg [dreg:$0xa]  }
0x127: {  	s31 =	rddreg [dreg:$0xb]  }
0x128: {  	s6 =	rddreg [dreg:$0x4]  }
0x129: {  	p1 =	por $0x0, $0x0;
	s7 =	rddreg [dreg:$0x5]  }
0x12a: {  	[hbm4b:s0+s19] =	stream.linear.scatter [tilespmem:s14], [sflag:$0x4], $0x6000, $0x38;
	[tilespmem:$0x1E300] =	vst v63  }
0x12b: {  	s8 =	rddreg [dreg:$0xc];
	s16 =	simm.s32 $0x4;
	s0 =	simm.s32 $0x2  }
0x12c: {  	[tilespmem:s21], [sflag:$0x2] =	stream.linear.gather [hbm4b:s31+s19], $0x6000, $0x38;
	[tilespmem:$0x1E300] =	vst v63  }
.LBB2_8:
0x12d: {  	_ =	swait.ge [sflag:s11], $0x6000  }
0x12e: {  	[sflag:s11] =	ssyncset.done $0x0  }
0x12f: {  	[sflag:s11] =	ssyncadd.s32 $0xFFFFA000  }
0x130: {  	_ =	swait.ge [sflag:s15], $0x6000  }
0x131: {  	p0 =	por p1, p1;
	s1 =	simm.s32 $0xFFFFFFF8;
	[sflag:s15] =	ssyncset.done $0x0  }
0x132: {  	s2 =	simm.s32 $0x340;
	s3 =	simm.s32 $0x12340;
	[sflag:s15] =	ssyncadd.s32 $0xFFFFA000  }
.LBB2_9:
0x133: {  	v3 =	vld [tilespmem:s2+$0xFFFFFFC0];
	_ =	sdelay $0x7  }
0x134: {  	v3 =	vld.idx.msk [tilespmem:v3+s20+$0x0], $0xffff;
	_ =	sdelay $0x4  }
0x135: {  	[tilespmem:s3+$0xFFFFFFC0] =	vst v3  }
0x136: {  	v3 =	vld [tilespmem:s2+$0xFFFFFFD0];
	_ =	sdelay $0x7  }
0x137: {  	v3 =	vld.idx.msk [tilespmem:v3+s20+$0x0], $0xffff;
	_ =	sdelay $0x4  }
0x138: {  	[tilespmem:s3+$0xFFFFFFD0] =	vst v3  }
0x139: {  	v3 =	vld [tilespmem:s2+$0xFFFFFFE0];
	_ =	sdelay $0x7  }
0x13a: {  	v3 =	vld.idx.msk [tilespmem:v3+s20+$0x0], $0xffff;
	_ =	sdelay $0x4  }
0x13b: {  	[tilespmem:s3+$0xFFFFFFE0] =	vst v3  }
0x13c: {  	v3 =	vld [tilespmem:s2+$0xFFFFFFF0];
	_ =	sdelay $0x7  }
0x13d: {  	v3 =	vld.idx.msk [tilespmem:v3+s20+$0x0], $0xffff;
	_ =	sdelay $0x4  }
0x13e: {  	[tilespmem:s3+$0xFFFFFFF0] =	vst v3  }
0x13f: {  	v3 =	vld [tilespmem:s2+$0x0];
	_ =	sdelay $0x7  }
0x140: {  	v3 =	vld.idx.msk [tilespmem:v3+s20+$0x0], $0xffff;
	_ =	sdelay $0x4  }
0x141: {  	[tilespmem:s3+$0x0] =	vst v3  }
0x142: {  	v3 =	vld [tilespmem:s2+$0x10];
	_ =	sdelay $0x7  }
0x143: {  	v3 =	vld.idx.msk [tilespmem:v3+s20+$0x0], $0xffff;
	_ =	sdelay $0x4  }
0x144: {  	[tilespmem:s3+$0x10] =	vst v3  }
0x145: {  	v3 =	vld [tilespmem:s2+$0x20];
	_ =	sdelay $0x7  }
0x146: {  	v3 =	vld.idx.msk [tilespmem:v3+s20+$0x0], $0xffff;
	_ =	sdelay $0x4  }
0x147: {  	[tilespmem:s3+$0x20] =	vst v3  }
0x148: {  	v3 =	vld [tilespmem:s2+$0x30];
	_ =	sdelay $0x6  }
0x149: {  	s1 =	sadd.s32 $0x8, s1  }
0x14a: {  	p1 =	slt.u32 s1, $0x5F8;
	v3 =	vld.idx.msk [tilespmem:v3+s20+$0x0], $0xffff  }
.Ltmp3:
0x14b: {  	_ = 	snop;
	(pc) =	sbr.rel @p1 .LBB2_9-.Ltmp3, $2  }
0x14c: {  	_ =	sdelay $0x2  }
0x14d: {  	s2 =	sadd.s32 $0x80, s2;
	[tilespmem:s3+$0x30] =	vst v3;
	s3 =	sadd.s32 $0x80, s3  }
0x14e: {  	s1 =	sor.u32 s7, s0  }
0x14f: {  	s1 =	smul.u32 $0xC00, s1  }
0x150: {  	s2 =	sadd.s32 s0, s8  }
0x151: {  	s2 =	smul.u32 $0xC00, s2;
	s3 =	sadd.s32 s6, s1  }
0x152: {  	[hbm4b:s3+s19] =	stream.linear.scatter [tilespmem:s12], [sflag:$0x3], $0x6000, $0x38;
	[tilespmem:$0x1E300] =	vst v63  }
0x153: {  	s2 =	sadd.s32 s5, s2  }
0x154: {  	[tilespmem:s20], [sflag:$0x1] =	stream.linear.gather [hbm4b:s2+s19], $0x6000, $0x38;
	[tilespmem:$0x1E300] =	vst v63  }
0x155: {  	_ =	swait.ge [sflag:s13], $0x6000  }
0x156: {  	[sflag:s13] =	ssyncset.done $0x0  }
0x157: {  	[sflag:s13] =	ssyncadd.s32 $0xFFFFA000  }
0x158: {  	_ =	swait.ge [sflag:s16], $0x6000  }
0x159: {  	s4 =	simm.s32 $0x18340;
	[sflag:s16] =	ssyncset.done $0x0  }
0x15a: {  	s3 =	simm.s32 $0x340;
	s2 =	simm.s32 $0xFFFFFFF8;
	[sflag:s16] =	ssyncadd.s32 $0xFFFFA000  }
.LBB2_11:
0x15b: {  	v3 =	vld [tilespmem:s3+$0xFFFFFFC0];
	_ =	sdelay $0x7  }
0x15c: {  	v3 =	vld.idx.msk [tilespmem:v3+s21+$0x0], $0xffff;
	_ =	sdelay $0x4  }
0x15d: {  	[tilespmem:s4+$0xFFFFFFC0] =	vst v3  }
0x15e: {  	v3 =	vld [tilespmem:s3+$0xFFFFFFD0];
	_ =	sdelay $0x7  }
0x15f: {  	v3 =	vld.idx.msk [tilespmem:v3+s21+$0x0], $0xffff;
	_ =	sdelay $0x4  }
0x160: {  	[tilespmem:s4+$0xFFFFFFD0] =	vst v3  }
0x161: {  	v3 =	vld [tilespmem:s3+$0xFFFFFFE0];
	_ =	sdelay $0x7  }
0x162: {  	v3 =	vld.idx.msk [tilespmem:v3+s21+$0x0], $0xffff;
	_ =	sdelay $0x4  }
0x163: {  	[tilespmem:s4+$0xFFFFFFE0] =	vst v3  }
0x164: {  	v3 =	vld [tilespmem:s3+$0xFFFFFFF0];
	_ =	sdelay $0x7  }
0x165: {  	v3 =	vld.idx.msk [tilespmem:v3+s21+$0x0], $0xffff;
	_ =	sdelay $0x4  }
0x166: {  	[tilespmem:s4+$0xFFFFFFF0] =	vst v3  }
0x167: {  	v3 =	vld [tilespmem:s3+$0x0];
	_ =	sdelay $0x7  }
0x168: {  	v3 =	vld.idx.msk [tilespmem:v3+s21+$0x0], $0xffff;
	_ =	sdelay $0x4  }
0x169: {  	[tilespmem:s4+$0x0] =	vst v3  }
0x16a: {  	v3 =	vld [tilespmem:s3+$0x10];
	_ =	sdelay $0x7  }
0x16b: {  	v3 =	vld.idx.msk [tilespmem:v3+s21+$0x0], $0xffff;
	_ =	sdelay $0x4  }
0x16c: {  	[tilespmem:s4+$0x10] =	vst v3  }
0x16d: {  	v3 =	vld [tilespmem:s3+$0x20];
	_ =	sdelay $0x7  }
0x16e: {  	v3 =	vld.idx.msk [tilespmem:v3+s21+$0x0], $0xffff;
	_ =	sdelay $0x4  }
0x16f: {  	[tilespmem:s4+$0x20] =	vst v3  }
0x170: {  	v3 =	vld [tilespmem:s3+$0x30];
	_ =	sdelay $0x6  }
0x171: {  	s2 =	sadd.s32 $0x8, s2  }
0x172: {  	p1 =	slt.u32 s2, $0x5F8;
	v3 =	vld.idx.msk [tilespmem:v3+s21+$0x0], $0xffff  }
.Ltmp4:
0x173: {  	_ = 	snop;
	(pc) =	sbr.rel @p1 .LBB2_11-.Ltmp4, $2  }
0x174: {  	_ =	sdelay $0x2  }
0x175: {  	s3 =	sadd.s32 $0x80, s3;
	[tilespmem:s4+$0x30] =	vst v3;
	s4 =	sadd.s32 $0x80, s4  }
0x176: {  	s0 =	sadd.s32 s0, s9  }
0x177: {  	s0 =	smul.u32 $0xC00, s0  }
.Ltmp5:
0x178: {  	s1 =	sadd.s32 s10, s1;
	(pc) =	sbr.rel @!p0 .LBB2_8-.Ltmp5, $4  }
0x179: {  	[hbm4b:s1+s19] =	stream.linear.scatter [tilespmem:s14], [sflag:$0x4], $0x6000, $0x38;
	[tilespmem:$0x1E300] =	vst v63  }
0x17a: {  	s0 =	sadd.s32 s5, s0  }
0x17b: {  	[tilespmem:s21], [sflag:$0x2] =	stream.linear.gather [hbm4b:s0+s19], $0x6000, $0x38;
	[tilespmem:$0x1E300] =	vst v63  }
0x17c: {  	p1 =	por $0x1, $0x1;
	s0 =	simm.s32 $0x4  }
0x17d: {  	_ =	swait.ge [sflag:s11], $0x6000  }
0x17e: {  	[sflag:s11] =	ssyncset.done $0x0  }
0x17f: {  	[sflag:s11] =	ssyncadd.s32 $0xFFFFA000  }
0x180: {  	_ =	swait.ge [sflag:s15], $0x6000  }
0x181: {  	s0 =	simm.s32 $0xFFFFFFF8;
	[sflag:s15] =	ssyncset.done $0x0  }
0x182: {  	s1 =	simm.s32 $0x340;
	s2 =	simm.s32 $0x12340;
	[sflag:s15] =	ssyncadd.s32 $0xFFFFA000  }
.LBB2_14:
0x183: {  	v3 =	vld [tilespmem:s1+$0xFFFFFFC0];
	_ =	sdelay $0x7  }
0x184: {  	v3 =	vld.idx.msk [tilespmem:v3+s20+$0x0], $0xffff;
	_ =	sdelay $0x4  }
0x185: {  	[tilespmem:s2+$0xFFFFFFC0] =	vst v3  }
0x186: {  	v3 =	vld [tilespmem:s1+$0xFFFFFFD0];
	_ =	sdelay $0x7  }
0x187: {  	v3 =	vld.idx.msk [tilespmem:v3+s20+$0x0], $0xffff;
	_ =	sdelay $0x4  }
0x188: {  	[tilespmem:s2+$0xFFFFFFD0] =	vst v3  }
0x189: {  	v3 =	vld [tilespmem:s1+$0xFFFFFFE0];
	_ =	sdelay $0x7  }
0x18a: {  	v3 =	vld.idx.msk [tilespmem:v3+s20+$0x0], $0xffff;
	_ =	sdelay $0x4  }
0x18b: {  	[tilespmem:s2+$0xFFFFFFE0] =	vst v3  }
0x18c: {  	v3 =	vld [tilespmem:s1+$0xFFFFFFF0];
	_ =	sdelay $0x7  }
0x18d: {  	v3 =	vld.idx.msk [tilespmem:v3+s20+$0x0], $0xffff;
	_ =	sdelay $0x4  }
0x18e: {  	[tilespmem:s2+$0xFFFFFFF0] =	vst v3  }
0x18f: {  	v3 =	vld [tilespmem:s1+$0x0];
	_ =	sdelay $0x7  }
0x190: {  	v3 =	vld.idx.msk [tilespmem:v3+s20+$0x0], $0xffff;
	_ =	sdelay $0x4  }
0x191: {  	[tilespmem:s2+$0x0] =	vst v3  }
0x192: {  	v3 =	vld [tilespmem:s1+$0x10];
	_ =	sdelay $0x7  }
0x193: {  	v3 =	vld.idx.msk [tilespmem:v3+s20+$0x0], $0xffff;
	_ =	sdelay $0x4  }
0x194: {  	[tilespmem:s2+$0x10] =	vst v3  }
0x195: {  	v3 =	vld [tilespmem:s1+$0x20];
	_ =	sdelay $0x7  }
0x196: {  	v3 =	vld.idx.msk [tilespmem:v3+s20+$0x0], $0xffff;
	_ =	sdelay $0x4  }
0x197: {  	[tilespmem:s2+$0x20] =	vst v3  }
0x198: {  	v3 =	vld [tilespmem:s1+$0x30];
	_ =	sdelay $0x6  }
0x199: {  	s0 =	sadd.s32 $0x8, s0  }
0x19a: {  	p0 =	slt.u32 s0, $0x5F8;
	v3 =	vld.idx.msk [tilespmem:v3+s20+$0x0], $0xffff  }
.Ltmp6:
0x19b: {  	_ = 	snop;
	(pc) =	sbr.rel @p0 .LBB2_14-.Ltmp6, $2  }
0x19c: {  	_ =	sdelay $0x2  }
0x19d: {  	s1 =	sadd.s32 $0x80, s1;
	[tilespmem:s2+$0x30] =	vst v3;
	s2 =	sadd.s32 $0x80, s2  }
0x19e: {  	s0 =	rddreg [dreg:$0xe]  }
0x19f: {  	[hbm4b:s0+s19] =	stream.linear.scatter [tilespmem:s12], [sflag:$0x3], $0x6000, $0x38;
	[tilespmem:$0x1E300] =	vst v63  }
0x1a0: {  	_ =	swait.ge [sflag:s13], $0x6000  }
0x1a1: {  	[sflag:s13] =	ssyncset.done $0x0  }
0x1a2: {  	[sflag:s13] =	ssyncadd.s32 $0xFFFFA000  }
0x1a3: {  	_ =	swait.ge [sflag:s16], $0x6000  }
0x1a4: {  	s1 =	simm.s32 $0x340;
	[sflag:s16] =	ssyncset.done $0x0  }
0x1a5: {  	s2 =	simm.s32 $0x18340;
	s0 =	simm.s32 $0xFFFFFFF8;
	[sflag:s16] =	ssyncadd.s32 $0xFFFFA000  }
.LBB2_16:
0x1a6: {  	v3 =	vld [tilespmem:s1+$0xFFFFFFC0];
	_ =	sdelay $0x7  }
0x1a7: {  	v3 =	vld.idx.msk [tilespmem:v3+s21+$0x0], $0xffff;
	_ =	sdelay $0x4  }
0x1a8: {  	[tilespmem:s2+$0xFFFFFFC0] =	vst v3  }
0x1a9: {  	v3 =	vld [tilespmem:s1+$0xFFFFFFD0];
	_ =	sdelay $0x7  }
0x1aa: {  	v3 =	vld.idx.msk [tilespmem:v3+s21+$0x0], $0xffff;
	_ =	sdelay $0x4  }
0x1ab: {  	[tilespmem:s2+$0xFFFFFFD0] =	vst v3  }
0x1ac: {  	v3 =	vld [tilespmem:s1+$0xFFFFFFE0];
	_ =	sdelay $0x7  }
0x1ad: {  	v3 =	vld.idx.msk [tilespmem:v3+s21+$0x0], $0xffff;
	_ =	sdelay $0x4  }
0x1ae: {  	[tilespmem:s2+$0xFFFFFFE0] =	vst v3  }
0x1af: {  	v3 =	vld [tilespmem:s1+$0xFFFFFFF0];
	_ =	sdelay $0x7  }
0x1b0: {  	v3 =	vld.idx.msk [tilespmem:v3+s21+$0x0], $0xffff;
	_ =	sdelay $0x4  }
0x1b1: {  	[tilespmem:s2+$0xFFFFFFF0] =	vst v3  }
0x1b2: {  	v3 =	vld [tilespmem:s1+$0x0];
	_ =	sdelay $0x7  }
0x1b3: {  	v3 =	vld.idx.msk [tilespmem:v3+s21+$0x0], $0xffff;
	_ =	sdelay $0x4  }
0x1b4: {  	[tilespmem:s2+$0x0] =	vst v3  }
0x1b5: {  	v3 =	vld [tilespmem:s1+$0x10];
	_ =	sdelay $0x7  }
0x1b6: {  	v3 =	vld.idx.msk [tilespmem:v3+s21+$0x0], $0xffff;
	_ =	sdelay $0x4  }
0x1b7: {  	[tilespmem:s2+$0x10] =	vst v3  }
0x1b8: {  	v3 =	vld [tilespmem:s1+$0x20];
	_ =	sdelay $0x7  }
0x1b9: {  	v3 =	vld.idx.msk [tilespmem:v3+s21+$0x0], $0xffff;
	_ =	sdelay $0x4  }
0x1ba: {  	[tilespmem:s2+$0x20] =	vst v3  }
0x1bb: {  	v3 =	vld [tilespmem:s1+$0x30];
	_ =	sdelay $0x6  }
0x1bc: {  	s0 =	sadd.s32 $0x8, s0  }
0x1bd: {  	p0 =	slt.u32 s0, $0x5F8;
	v3 =	vld.idx.msk [tilespmem:v3+s21+$0x0], $0xffff  }
.Ltmp7:
0x1be: {  	_ = 	snop;
	(pc) =	sbr.rel @p0 .LBB2_16-.Ltmp7, $2  }
0x1bf: {  	_ =	sdelay $0x2  }
0x1c0: {  	s1 =	sadd.s32 $0x80, s1;
	[tilespmem:s2+$0x30] =	vst v3;
	s2 =	sadd.s32 $0x80, s2  }
0x1c1: {  	s0 =	rddreg [dreg:$0xf]  }
0x1c2: {  	[hbm4b:s0+s19] =	stream.linear.scatter [tilespmem:s14], [sflag:$0x4], $0x6000, $0x38;
	[tilespmem:$0x1E300] =	vst v63  }
0x1c3: {  	_ =	swait.ge [sflag:s15], $0x6000  }
0x1c4: {  	[sflag:s15] =	ssyncset.done $0x0  }
0x1c5: {  	[sflag:s15] =	ssyncadd.s32 $0xFFFFA000  }
0x1c6: {  	_ =	swait.ge [sflag:s16], $0x6000  }
0x1c7: {  	s1 =	rddreg [dreg:$0x12]  }
0x1c8: {  	s31 =	rddreg [dreg:$0x10];
	s1 =	sadd.s32 $0x1, s1  }
0x1c9: {  	p0 =	sne.s32 s1, s31  }
.Ltmp8:
0x1ca: {  	_ = 	snop;
	(pc) =	sbr.rel @p0 .LBB2_1-.Ltmp8, $3  }
0x1cb: {  	_ =	sdelay $0x1  }
0x1cc: {  	[sflag:s16] =	ssyncset.done $0x0  }
0x1cd: {  	[sflag:s16] =	ssyncadd.s32 $0xFFFFA000  }
0x1ce: {  	_ =	sfence.sel $0x180000  }
0x1cf: {  	[bflag:$0x0] =	sbarrier.arrive $0xFFFF  }
0x1d0: {  	_ =	strace $0x90000047  }
0x1d1: {  	s0 =	stileid.u32;
	[bflag:$0x2] =	sbarrier.arrive $0xFFFF  }
0x1d2: {  	p0 =	sne.s32 s0, $0x0;
	s0 =	rddreg [dreg:$0x3]  }
0x1d3: {  	s0 =	sadd.s32 @!p0 $0x100000, s0  }
0x1d4: {  	[sflag:s0] =	ssyncadd.tile.s32 @!p0 $0x1;
	_ =	shalt  }
.Lfunc_end2:
_tile_overlayer_lowered:
.L_overlay_start_2:
0x1d5: {  	(tag) =	ssettag $0x2  }
0x1d6: {  	s0 =	rddreg [dreg:$0x0];
	s2 =	stileid.u32  }
0x1d7: {  	s1 =	rddreg [dreg:$0x1];
	p0 =	sne.s32 s2, $0x0  }
0x1d8: {  	s3 =	rddreg [dreg:$0x2];
	[bflag:$0x3] =	sbarrier.arrive $0xFFFF;
	s2 =	simm.s32 @!p0 $0x1C05  }
0x1d9: {  	[timem:s3], [sflag:s2] =	dma.local @!p0 [hbm:s0], s1  }
0x1da: {  	s0 =	simm.s32 @!p0 $0x5  }
0x1db: {  	_ =	swait.ge @!p0 [sflag:s0], s1  }
0x1dc: {  	s1 =	ssub.s32 @!p0 $0x0, s1;
	[sflag:s0] =	ssyncset.done @!p0 $0x0  }
0x1dd: {  	[sflag:s0] =	ssyncadd.s32 @!p0 s1  }
0x1de: {  	[bflag:$0x3] =	sbarrier.arrive $0xFFFF  }
0x1df: {  	_ =	shalt  }

</sc_bundles>
